<compile_context>
chip_gen: v7x
topology: tpu7x:2x2x1
jax: 0.10.2.dev20260603
libtpu: 0.0.44.dev20260713+nightly
codegen_flags: <defaults>
</compile_context>

<pallas_src>
import functools

import jax
import jax.numpy as jnp
from jax import lax
from jax.experimental import pallas as pl
from jax.experimental.pallas import tpu as pltpu
from jax.experimental.pallas import tpu_sc as plsc

_NSEG = 196
_SEGP = 256
_NQ = 4
_LANES = 16
_NW = 32
_EMB = 768


def _sc_segment_partials(img_flat, seg_flat, B, C, HW):
    ppw = (B * HW) // _NW
    wpb = _NW // B
    groups = ppw // _LANES
    outsz = _NQ * _SEGP
    accsz = outsz

    mesh = plsc.VectorSubcoreMesh(
        core_axis_name="c", subcore_axis_name="s", num_cores=2, num_subcores=16)

    @functools.partial(
        pl.kernel,
        mesh=mesh,
        compiler_params=pltpu.CompilerParams(needs_layout_passes=False),
        out_type=jax.ShapeDtypeStruct((_NW * outsz,), jnp.float32),
        scratch_types=[
            pltpu.VMEM((ppw,), jnp.int32),
            pltpu.VMEM((ppw,), jnp.float32),
            pltpu.VMEM((ppw,), jnp.float32),
            pltpu.VMEM((ppw,), jnp.float32),
            pltpu.VMEM((accsz,), jnp.float32),
            pltpu.SemaphoreType.DMA,
            pltpu.SemaphoreType.DMA,
        ],
    )
    def sc_kernel(img_hbm, seg_hbm, out_hbm, seg_v, ch0, ch1, ch2, acc,
                  sem_a, sem_b):
        cid = lax.axis_index("c")
        sid = lax.axis_index("s")
        wid = sid * 2 + cid
        b = wid // wpb
        j = wid % wpb
        pix0 = j * ppw
        hp = ppw // 2
        cps_a = [
            pltpu.async_copy(seg_hbm.at[pl.ds(b * HW + pix0, hp)],
                             seg_v.at[pl.ds(0, hp)], sem_a),
            pltpu.async_copy(img_hbm.at[pl.ds((b * C + 0) * HW + pix0, hp)],
                             ch0.at[pl.ds(0, hp)], sem_a),
            pltpu.async_copy(img_hbm.at[pl.ds((b * C + 1) * HW + pix0, hp)],
                             ch1.at[pl.ds(0, hp)], sem_a),
            pltpu.async_copy(img_hbm.at[pl.ds((b * C + 2) * HW + pix0, hp)],
                             ch2.at[pl.ds(0, hp)], sem_a),
        ]
        cps_b = [
            pltpu.async_copy(seg_hbm.at[pl.ds(b * HW + pix0 + hp, hp)],
                             seg_v.at[pl.ds(hp, hp)], sem_b),
            pltpu.async_copy(img_hbm.at[pl.ds((b * C + 0) * HW + pix0 + hp, hp)],
                             ch0.at[pl.ds(hp, hp)], sem_b),
            pltpu.async_copy(img_hbm.at[pl.ds((b * C + 1) * HW + pix0 + hp, hp)],
                             ch1.at[pl.ds(hp, hp)], sem_b),
            pltpu.async_copy(img_hbm.at[pl.ds((b * C + 2) * HW + pix0 + hp, hp)],
                             ch2.at[pl.ds(hp, hp)], sem_b),
        ]

        zeros = jnp.zeros((_LANES,), jnp.float32)

        for q in range(_NQ):
            for t in range(_SEGP // _LANES):
                acc[pl.ds(q * _SEGP + t * _LANES, _LANES)] = zeros

        ones = jnp.ones((_LANES,), jnp.float32)
        GUN = 8

        def body(g, carry):
            base = g * (GUN * _LANES)
            idxs = []
            for u in range(GUN):
                o = base + u * _LANES
                idxs.append(seg_v[pl.ds(o, _LANES)])
            for q, ch in enumerate((ch0, ch1, ch2, None)):
                qb = q * _SEGP
                for u in range(GUN):
                    o = base + u * _LANES
                    val = ones if ch is None else ch[pl.ds(o, _LANES)]
                    plsc.addupdate_scatter(acc, [idxs[u] + qb], val)
            return carry

        half_iters = groups // (2 * GUN)
        for cp in cps_a:
            cp.wait()
        lax.fori_loop(0, half_iters, body, 0)
        for cp in cps_b:
            cp.wait()
        lax.fori_loop(half_iters, groups // GUN, body, 0)

        pltpu.sync_copy(acc.at[pl.ds(0, outsz)],
                        out_hbm.at[pl.ds(wid * outsz, outsz)])

    return sc_kernel(img_flat, seg_flat)


def _tc_fuse_weights(W_proj, b_proj2, W_gcn, b_gcn2):

    def tc_kernel(wp_ref, bp_ref, wg_ref, bg_ref, o_ref):
        wg = wg_ref[...]
        o_ref[0:3, :] = jnp.dot(wp_ref[...], wg,
                                preferred_element_type=jnp.float32)
        o_ref[3:4, :] = jnp.dot(bp_ref[...], wg,
                                preferred_element_type=jnp.float32) + bg_ref[...]

    return pl.pallas_call(
        tc_kernel,
        out_shape=jax.ShapeDtypeStruct((4, _EMB), jnp.float32),
    )(W_proj, b_proj2, W_gcn, b_gcn2)


def _tc_finish(part, wf, B):

    def tc_kernel(part_ref, wf_ref, out_ref):
        t = jnp.sum(part_ref[...], axis=1)
        cnt = jnp.clip(t[:, 3 * _SEGP:4 * _SEGP], 1.0, None)
        u = jnp.broadcast_to(wf_ref[3:4, :], (B, _EMB))
        for c in range(3):
            m = t[:, c * _SEGP:(c + 1) * _SEGP] / cnt
            a_c = jnp.sum(m, axis=1, keepdims=True) / _NSEG
            u = u + a_c * wf_ref[c:c + 1, :]
        out_ref[...] = jnp.broadcast_to(u[:, None, :], out_ref.shape)

    return pl.pallas_call(
        tc_kernel,
        out_shape=jax.ShapeDtypeStruct((B, _NSEG, _EMB), jnp.float32),
    )(part, wf)


def kernel(img, segments, W_proj, b_proj, W_gcn, b_gcn):
    B, C, H, W = img.shape
    HW = H * W
    img_flat = img.reshape(B * C * HW)
    seg_flat = segments.reshape(B * HW).astype(jnp.int32)
    wf = _tc_fuse_weights(W_proj, b_proj.reshape(1, _EMB),
                          W_gcn, b_gcn.reshape(1, _EMB))
    part = _sc_segment_partials(img_flat, seg_flat, B, C, HW)
    part = part.reshape(B, _NW // B, _NQ * _SEGP)
    out = _tc_finish(part, wf, B)
    return out

# --- scband reference (transcript-rebuilt; emitter-appended) ---
"""Pipeline reference for scband-differentiable-superpixel-tokenizer-4063039062509 (READ-ONLY COPY).

The authoritative reference and input builder live on the scoring server;
editing this copy changes nothing except your own understanding.
"""

import jax, jax.numpy as jnp
import numpy as np

N_SEGMENTS = 196
EMBED_DIM = 768
N_CHANNELS = 3
B_CONST = 4


def _build_edges(B, n_seg):
    iu, ju = np.triu_indices(n_seg, k=1)
    src = np.concatenate([iu, ju])
    dst = np.concatenate([ju, iu])
    srcs, dsts = [], []
    for b in range(B):
        srcs.append(src + b * n_seg)
        dsts.append(dst + b * n_seg)
    return np.concatenate(srcs).astype(np.int32), np.concatenate(dsts).astype(np.int32)


def setup_inputs(seed: int = 0):
    key = jax.random.key(seed)
    k1, k2, k3, k4, k5, k6 = jax.random.split(key, 6)
    img = jax.random.normal(k1, (B_CONST, N_CHANNELS, 224, 224), dtype=jnp.float32)
    segments = jax.random.randint(k2, (B_CONST, 224, 224), 0, N_SEGMENTS, dtype=jnp.int32)
    W_proj = jax.random.normal(k3, (N_CHANNELS, EMBED_DIM), dtype=jnp.float32) * 0.02
    b_proj = jnp.zeros((EMBED_DIM,), dtype=jnp.float32)
    W_gcn = jax.random.normal(k4, (EMBED_DIM, EMBED_DIM), dtype=jnp.float32) * 0.02
    b_gcn = jnp.zeros((EMBED_DIM,), dtype=jnp.float32)
    return {"img": img, "segments": segments, "W_proj": W_proj, "b_proj": b_proj, "W_gcn": W_gcn, "b_gcn": b_gcn}


def reference(img, segments, W_proj, b_proj, W_gcn, b_gcn):
    B, C, H, W = img.shape
    n_seg = N_SEGMENTS
    HW = H * W
    # --- segment mean pooling (masked sum / clamped count, as in torch module) ---
    img_flat = img.reshape(B, C, HW)
    seg_flat = segments.reshape(B, HW)
    glob_ids = (seg_flat + jnp.arange(B, dtype=seg_flat.dtype)[:, None] * n_seg).reshape(-1)
    data = jnp.transpose(img_flat, (0, 2, 1)).reshape(-1, C)
    sums = jax.ops.segment_sum(data, glob_ids, num_segments=B * n_seg)
    counts = jax.ops.segment_sum(jnp.ones((B * HW,), jnp.float32), glob_ids, num_segments=B * n_seg)
    counts = jnp.clip(counts, 1.0, None)
    segment_features = (sums / counts[:, None]).reshape(B, n_seg, C)
    # --- node projection ---
    projected = segment_features @ W_proj + b_proj
    x = projected.reshape(-1, EMBED_DIM)
    # --- fully-connected graph per image + GCNConv with self loops ---
    src_np, dst_np = _build_edges(B, n_seg)
    N = B * n_seg
    self_idx = jnp.arange(N, dtype=jnp.int32)
    src = jnp.concatenate([jnp.asarray(src_np), self_idx])
    dst = jnp.concatenate([jnp.asarray(dst_np), self_idx])
    deg = jax.ops.segment_sum(jnp.ones(src.shape[0], jnp.float32), dst, num_segments=N)
    dinv = jax.lax.rsqrt(jnp.clip(deg, 1.0, None))
    xw = x @ W_gcn
    norm = (dinv[src] * dinv[dst])[:, None]
    msg = xw[src] * norm
    out = jax.ops.segment_sum(msg, dst, num_segments=N) + b_gcn
    return out.reshape(B, n_seg, EMBED_DIM)

if __name__ == "__main__":
    import jax
    _d = setup_inputs()
    print(jax.jit(kernel)(*tuple(_d.values())))

</pallas_src>

<mosaic_0001>
#map = affine_map<(d0, d1) -> (0)>
module attributes {stable_mosaic.version = 14 : i64} {
  func.func @sc_kernel(%arg0: i32, %arg1: i32, %arg2: memref<602112xf32, #tpu.memory_space<hbm>>, %arg3: memref<200704xi32, #tpu.memory_space<hbm>>, %arg4: memref<32768xf32, #tpu.memory_space<hbm>>, %arg5: memref<6272xi32, #tpu.memory_space<vmem>>, %arg6: memref<6272xf32, #tpu.memory_space<vmem>>, %arg7: memref<6272xf32, #tpu.memory_space<vmem>>, %arg8: memref<6272xf32, #tpu.memory_space<vmem>>, %arg9: memref<1024xf32, #tpu.memory_space<vmem>>, %arg10: memref<!tpu.dma_semaphore, #tpu.memory_space<semaphore_mem>>, %arg11: memref<!tpu.dma_semaphore, #tpu.memory_space<semaphore_mem>>) attributes {dimension_semantics = [#tpu.dimension_semantics<core_parallel>, #tpu.dimension_semantics<subcore_parallel>], iteration_bounds = array<i64: 2, 16>, scalar_prefetch = 0 : i64, scratch_operands = 7 : i64, tpu.core_type = #tpu.core_type<sc_vector_subcore>, window_params = [{transform_indices = #map}, {transform_indices = #map}, {transform_indices = #map}]} {
    %mul3A = arith.constant 2 : i32
    %mul3A_0 = arith.muli %arg1, %mul3A : i32
    %add3A = arith.addi %mul3A_0, %arg0 : i32
    %jit3A = arith.constant 8 : i32
    %div3A = arith.divsi %add3A, %jit3A : i32
    %sign3A = arith.constant 0 : i32
    %sign3A_1 = arith.cmpi sgt, %add3A, %sign3A : i32
    %sign3A_2 = arith.extui %sign3A_1 : i1 to i32
    %sign3A_3 = arith.constant 0 : i32
    %sign3A_4 = arith.cmpi slt, %add3A, %sign3A_3 : i32
    %sign3A_5 = arith.extui %sign3A_4 : i1 to i32
    %sign3A_6 = arith.subi %sign3A_2, %sign3A_5 : i32
    %sign3A_7 = arith.constant 0 : i32
    %sign3A_8 = arith.cmpi sgt, %jit3A, %sign3A_7 : i32
    %sign3A_9 = arith.extui %sign3A_8 : i1 to i32
    %sign3A_10 = arith.constant 0 : i32
    %sign3A_11 = arith.cmpi slt, %jit3A, %sign3A_10 : i32
    %sign3A_12 = arith.extui %sign3A_11 : i1 to i32
    %sign3A_13 = arith.subi %sign3A_9, %sign3A_12 : i32
    %ne3A = arith.cmpi ne, %sign3A_6, %sign3A_13 : i32
    %rem3A = arith.remsi %add3A, %jit3A : i32
    %ne3A_14 = arith.constant 0 : i32
    %ne3A_15 = arith.cmpi ne, %rem3A, %ne3A_14 : i32
    %and3A = arith.andi %ne3A, %ne3A_15 : i1
    %sub3A = arith.constant 1 : i32
    %sub3A_16 = arith.subi %div3A, %sub3A : i32
    %select_n3A = arith.select %and3A, %sub3A_16, %div3A : i32
    %jit3A_17 = arith.constant 8 : i32
    %eq3A = arith.constant 0 : i32
    %eq3A_18 = arith.cmpi eq, %jit3A_17, %eq3A : i32
    %jit3A_19 = arith.constant 1 : i32
    %select_n3A_20 = arith.select %eq3A_18, %jit3A_19, %jit3A_17 : i32
    %rem3A_21 = arith.remsi %add3A, %select_n3A_20 : i32
    %ne3A_22 = arith.constant 0 : i32
    %ne3A_23 = arith.cmpi ne, %rem3A_21, %ne3A_22 : i32
    %lt3A = arith.constant 0 : i32
    %lt3A_24 = arith.cmpi slt, %rem3A_21, %lt3A : i32
    %lt3A_25 = arith.constant 0 : i32
    %lt3A_26 = arith.cmpi slt, %select_n3A_20, %lt3A_25 : i32
    %ne3A_27 = arith.xori %lt3A_24, %lt3A_26 : i1
    %and3A_28 = arith.andi %ne3A_27, %ne3A_23 : i1
    %add3A_29 = arith.addi %rem3A_21, %select_n3A_20 : i32
    %select_n3A_30 = arith.select %and3A_28, %add3A_29, %rem3A_21 : i32
    %mul3A_31 = arith.constant 6272 : i32
    %mul3A_32 = arith.muli %select_n3A_30, %mul3A_31 : i32
    %mul3A_33 = arith.constant 50176 : i32
    %mul3A_34 = arith.muli %select_n3A, %mul3A_33 : i32
    %add3A_35 = arith.addi %mul3A_34, %mul3A_32 : i32
    %dma_start3A = arith.constant 0 : i32
    %dma_start3A_36 = tpu.memref_slice %arg5[%dma_start3A] : memref<6272xi32, #tpu.memory_space<vmem>> -> memref<3136xi32, #tpu.memory_space<vmem>>
    %dma_start3A_37 = tpu.memref_slice %arg3[%add3A_35] : memref<200704xi32, #tpu.memory_space<hbm>> -> memref<3136xi32, #tpu.memory_space<hbm>>
    %dma_start3A_38 = arith.constant 0 : i32
    %dma_start3A_39 = tpu.memref_slice %arg5[%dma_start3A_38] : memref<6272xi32, #tpu.memory_space<vmem>> -> memref<3136xi32, #tpu.memory_space<vmem>>
    %dma_start3A_40 = tpu.memref_slice %arg3[%add3A_35] : memref<200704xi32, #tpu.memory_space<hbm>> -> memref<3136xi32, #tpu.memory_space<hbm>>
    tpu.enqueue_dma source(%dma_start3A_40 : memref<3136xi32, #tpu.memory_space<hbm>>) target(%dma_start3A_39 : memref<3136xi32, #tpu.memory_space<vmem>>) target_semaphore(%arg10 : memref<!tpu.dma_semaphore, #tpu.memory_space<semaphore_mem>>)
    %mul3A_41 = arith.constant 3 : i32
    %mul3A_42 = arith.muli %select_n3A, %mul3A_41 : i32
    %add3A_43 = arith.constant 0 : i32
    %add3A_44 = arith.addi %mul3A_42, %add3A_43 : i32
    %mul3A_45 = arith.constant 50176 : i32
    %mul3A_46 = arith.muli %add3A_44, %mul3A_45 : i32
    %add3A_47 = arith.addi %mul3A_46, %mul3A_32 : i32
    %dma_start3A_48 = arith.constant 0 : i32
    %dma_start3A_49 = tpu.memref_slice %arg6[%dma_start3A_48] : memref<6272xf32, #tpu.memory_space<vmem>> -> memref<3136xf32, #tpu.memory_space<vmem>>
    %dma_start3A_50 = tpu.memref_slice %arg2[%add3A_47] : memref<602112xf32, #tpu.memory_space<hbm>> -> memref<3136xf32, #tpu.memory_space<hbm>>
    %dma_start3A_51 = arith.constant 0 : i32
    %dma_start3A_52 = tpu.memref_slice %arg6[%dma_start3A_51] : memref<6272xf32, #tpu.memory_space<vmem>> -> memref<3136xf32, #tpu.memory_space<vmem>>
    %dma_start3A_53 = tpu.memref_slice %arg2[%add3A_47] : memref<602112xf32, #tpu.memory_space<hbm>> -> memref<3136xf32, #tpu.memory_space<hbm>>
    tpu.enqueue_dma source(%dma_start3A_53 : memref<3136xf32, #tpu.memory_space<hbm>>) target(%dma_start3A_52 : memref<3136xf32, #tpu.memory_space<vmem>>) target_semaphore(%arg10 : memref<!tpu.dma_semaphore, #tpu.memory_space<semaphore_mem>>)
    %mul3A_54 = arith.constant 3 : i32
    %mul3A_55 = arith.muli %select_n3A, %mul3A_54 : i32
    %add3A_56 = arith.constant 1 : i32
    %add3A_57 = arith.addi %mul3A_55, %add3A_56 : i32
    %mul3A_58 = arith.constant 50176 : i32
    %mul3A_59 = arith.muli %add3A_57, %mul3A_58 : i32
    %add3A_60 = arith.addi %mul3A_59, %mul3A_32 : i32
    %dma_start3A_61 = arith.constant 0 : i32
    %dma_start3A_62 = tpu.memref_slice %arg7[%dma_start3A_61] : memref<6272xf32, #tpu.memory_space<vmem>> -> memref<3136xf32, #tpu.memory_space<vmem>>
    %dma_start3A_63 = tpu.memref_slice %arg2[%add3A_60] : memref<602112xf32, #tpu.memory_space<hbm>> -> memref<3136xf32, #tpu.memory_space<hbm>>
    %dma_start3A_64 = arith.constant 0 : i32
    %dma_start3A_65 = tpu.memref_slice %arg7[%dma_start3A_64] : memref<6272xf32, #tpu.memory_space<vmem>> -> memref<3136xf32, #tpu.memory_space<vmem>>
    %dma_start3A_66 = tpu.memref_slice %arg2[%add3A_60] : memref<602112xf32, #tpu.memory_space<hbm>> -> memref<3136xf32, #tpu.memory_space<hbm>>
    tpu.enqueue_dma source(%dma_start3A_66 : memref<3136xf32, #tpu.memory_space<hbm>>) target(%dma_start3A_65 : memref<3136xf32, #tpu.memory_space<vmem>>) target_semaphore(%arg10 : memref<!tpu.dma_semaphore, #tpu.memory_space<semaphore_mem>>)
    %mul3A_67 = arith.constant 3 : i32
    %mul3A_68 = arith.muli %select_n3A, %mul3A_67 : i32
    %add3A_69 = arith.constant 2 : i32
    %add3A_70 = arith.addi %mul3A_68, %add3A_69 : i32
    %mul3A_71 = arith.constant 50176 : i32
    %mul3A_72 = arith.muli %add3A_70, %mul3A_71 : i32
    %add3A_73 = arith.addi %mul3A_72, %mul3A_32 : i32
    %dma_start3A_74 = arith.constant 0 : i32
    %dma_start3A_75 = tpu.memref_slice %arg8[%dma_start3A_74] : memref<6272xf32, #tpu.memory_space<vmem>> -> memref<3136xf32, #tpu.memory_space<vmem>>
    %dma_start3A_76 = tpu.memref_slice %arg2[%add3A_73] : memref<602112xf32, #tpu.memory_space<hbm>> -> memref<3136xf32, #tpu.memory_space<hbm>>
    %dma_start3A_77 = arith.constant 0 : i32
    %dma_start3A_78 = tpu.memref_slice %arg8[%dma_start3A_77] : memref<6272xf32, #tpu.memory_space<vmem>> -> memref<3136xf32, #tpu.memory_space<vmem>>
    %dma_start3A_79 = tpu.memref_slice %arg2[%add3A_73] : memref<602112xf32, #tpu.memory_space<hbm>> -> memref<3136xf32, #tpu.memory_space<hbm>>
    tpu.enqueue_dma source(%dma_start3A_79 : memref<3136xf32, #tpu.memory_space<hbm>>) target(%dma_start3A_78 : memref<3136xf32, #tpu.memory_space<vmem>>) target_semaphore(%arg10 : memref<!tpu.dma_semaphore, #tpu.memory_space<semaphore_mem>>)
    %mul3A_80 = arith.constant 50176 : i32
    %mul3A_81 = arith.muli %select_n3A, %mul3A_80 : i32
    %add3A_82 = arith.addi %mul3A_81, %mul3A_32 : i32
    %add3A_83 = arith.constant 3136 : i32
    %add3A_84 = arith.addi %add3A_82, %add3A_83 : i32
    %dma_start3A_85 = arith.constant 3136 : i32
    %dma_start3A_86 = tpu.memref_slice %arg5[%dma_start3A_85] : memref<6272xi32, #tpu.memory_space<vmem>> -> memref<3136xi32, #tpu.memory_space<vmem>>
    %dma_start3A_87 = tpu.memref_slice %arg3[%add3A_84] : memref<200704xi32, #tpu.memory_space<hbm>> -> memref<3136xi32, #tpu.memory_space<hbm>>
    %dma_start3A_88 = arith.constant 3136 : i32
    %dma_start3A_89 = tpu.memref_slice %arg5[%dma_start3A_88] : memref<6272xi32, #tpu.memory_space<vmem>> -> memref<3136xi32, #tpu.memory_space<vmem>>
    %dma_start3A_90 = tpu.memref_slice %arg3[%add3A_84] : memref<200704xi32, #tpu.memory_space<hbm>> -> memref<3136xi32, #tpu.memory_space<hbm>>
    tpu.enqueue_dma source(%dma_start3A_90 : memref<3136xi32, #tpu.memory_space<hbm>>) target(%dma_start3A_89 : memref<3136xi32, #tpu.memory_space<vmem>>) target_semaphore(%arg11 : memref<!tpu.dma_semaphore, #tpu.memory_space<semaphore_mem>>)
    %mul3A_91 = arith.constant 3 : i32
    %mul3A_92 = arith.muli %select_n3A, %mul3A_91 : i32
    %add3A_93 = arith.constant 0 : i32
    %add3A_94 = arith.addi %mul3A_92, %add3A_93 : i32
    %mul3A_95 = arith.constant 50176 : i32
    %mul3A_96 = arith.muli %add3A_94, %mul3A_95 : i32
    %add3A_97 = arith.addi %mul3A_96, %mul3A_32 : i32
    %add3A_98 = arith.constant 3136 : i32
    %add3A_99 = arith.addi %add3A_97, %add3A_98 : i32
    %dma_start3A_100 = arith.constant 3136 : i32
    %dma_start3A_101 = tpu.memref_slice %arg6[%dma_start3A_100] : memref<6272xf32, #tpu.memory_space<vmem>> -> memref<3136xf32, #tpu.memory_space<vmem>>
    %dma_start3A_102 = tpu.memref_slice %arg2[%add3A_99] : memref<602112xf32, #tpu.memory_space<hbm>> -> memref<3136xf32, #tpu.memory_space<hbm>>
    %dma_start3A_103 = arith.constant 3136 : i32
    %dma_start3A_104 = tpu.memref_slice %arg6[%dma_start3A_103] : memref<6272xf32, #tpu.memory_space<vmem>> -> memref<3136xf32, #tpu.memory_space<vmem>>
    %dma_start3A_105 = tpu.memref_slice %arg2[%add3A_99] : memref<602112xf32, #tpu.memory_space<hbm>> -> memref<3136xf32, #tpu.memory_space<hbm>>
    tpu.enqueue_dma source(%dma_start3A_105 : memref<3136xf32, #tpu.memory_space<hbm>>) target(%dma_start3A_104 : memref<3136xf32, #tpu.memory_space<vmem>>) target_semaphore(%arg11 : memref<!tpu.dma_semaphore, #tpu.memory_space<semaphore_mem>>)
    %mul3A_106 = arith.constant 3 : i32
    %mul3A_107 = arith.muli %select_n3A, %mul3A_106 : i32
    %add3A_108 = arith.constant 1 : i32
    %add3A_109 = arith.addi %mul3A_107, %add3A_108 : i32
    %mul3A_110 = arith.constant 50176 : i32
    %mul3A_111 = arith.muli %add3A_109, %mul3A_110 : i32
    %add3A_112 = arith.addi %mul3A_111, %mul3A_32 : i32
    %add3A_113 = arith.constant 3136 : i32
    %add3A_114 = arith.addi %add3A_112, %add3A_113 : i32
    %dma_start3A_115 = arith.constant 3136 : i32
    %dma_start3A_116 = tpu.memref_slice %arg7[%dma_start3A_115] : memref<6272xf32, #tpu.memory_space<vmem>> -> memref<3136xf32, #tpu.memory_space<vmem>>
    %dma_start3A_117 = tpu.memref_slice %arg2[%add3A_114] : memref<602112xf32, #tpu.memory_space<hbm>> -> memref<3136xf32, #tpu.memory_space<hbm>>
    %dma_start3A_118 = arith.constant 3136 : i32
    %dma_start3A_119 = tpu.memref_slice %arg7[%dma_start3A_118] : memref<6272xf32, #tpu.memory_space<vmem>> -> memref<3136xf32, #tpu.memory_space<vmem>>
    %dma_start3A_120 = tpu.memref_slice %arg2[%add3A_114] : memref<602112xf32, #tpu.memory_space<hbm>> -> memref<3136xf32, #tpu.memory_space<hbm>>
    tpu.enqueue_dma source(%dma_start3A_120 : memref<3136xf32, #tpu.memory_space<hbm>>) target(%dma_start3A_119 : memref<3136xf32, #tpu.memory_space<vmem>>) target_semaphore(%arg11 : memref<!tpu.dma_semaphore, #tpu.memory_space<semaphore_mem>>)
    %mul3A_121 = arith.constant 3 : i32
    %mul3A_122 = arith.muli %select_n3A, %mul3A_121 : i32
    %add3A_123 = arith.constant 2 : i32
    %add3A_124 = arith.addi %mul3A_122, %add3A_123 : i32
    %mul3A_125 = arith.constant 50176 : i32
    %mul3A_126 = arith.muli %add3A_124, %mul3A_125 : i32
    %add3A_127 = arith.addi %mul3A_126, %mul3A_32 : i32
    %add3A_128 = arith.constant 3136 : i32
    %add3A_129 = arith.addi %add3A_127, %add3A_128 : i32
    %dma_start3A_130 = arith.constant 3136 : i32
    %dma_start3A_131 = tpu.memref_slice %arg8[%dma_start3A_130] : memref<6272xf32, #tpu.memory_space<vmem>> -> memref<3136xf32, #tpu.memory_space<vmem>>
    %dma_start3A_132 = tpu.memref_slice %arg2[%add3A_129] : memref<602112xf32, #tpu.memory_space<hbm>> -> memref<3136xf32, #tpu.memory_space<hbm>>
    %dma_start3A_133 = arith.constant 3136 : i32
    %dma_start3A_134 = tpu.memref_slice %arg8[%dma_start3A_133] : memref<6272xf32, #tpu.memory_space<vmem>> -> memref<3136xf32, #tpu.memory_space<vmem>>
    %dma_start3A_135 = tpu.memref_slice %arg2[%add3A_129] : memref<602112xf32, #tpu.memory_space<hbm>> -> memref<3136xf32, #tpu.memory_space<hbm>>
    tpu.enqueue_dma source(%dma_start3A_135 : memref<3136xf32, #tpu.memory_space<hbm>>) target(%dma_start3A_134 : memref<3136xf32, #tpu.memory_space<vmem>>) target_semaphore(%arg11 : memref<!tpu.dma_semaphore, #tpu.memory_space<semaphore_mem>>)
    %broadcast_in_dim3A = arith.constant 0.000000e+00 : f32
    %broadcast_in_dim3A_136 = vector.broadcast %broadcast_in_dim3A : f32 to vector<16xf32>
    %swap3A = arith.constant 0 : index
    %swap3A_137 = tpu.vector_load %arg9[%swap3A] {strides = array<i32>} : memref<1024xf32, #tpu.memory_space<vmem>>, vector<16xf32>,
    tpu.vector_store %arg9[%swap3A], %broadcast_in_dim3A_136 {strides = array<i32>} : memref<1024xf32, #tpu.memory_space<vmem>>, vector<16xf32>,
    %swap3A_138 = arith.constant 16 : index
    %swap3A_139 = tpu.vector_load %arg9[%swap3A_138] {strides = array<i32>} : memref<1024xf32, #tpu.memory_space<vmem>>, vector<16xf32>,
    tpu.vector_store %arg9[%swap3A_138], %broadcast_in_dim3A_136 {strides = array<i32>} : memref<1024xf32, #tpu.memory_space<vmem>>, vector<16xf32>,
    %swap3A_140 = arith.constant 32 : index
    %swap3A_141 = tpu.vector_load %arg9[%swap3A_140] {strides = array<i32>} : memref<1024xf32, #tpu.memory_space<vmem>>, vector<16xf32>,
    tpu.vector_store %arg9[%swap3A_140], %broadcast_in_dim3A_136 {strides = array<i32>} : memref<1024xf32, #tpu.memory_space<vmem>>, vector<16xf32>,
    %swap3A_142 = arith.constant 48 : index
    %swap3A_143 = tpu.vector_load %arg9[%swap3A_142] {strides = array<i32>} : memref<1024xf32, #tpu.memory_space<vmem>>, vector<16xf32>,
    tpu.vector_store %arg9[%swap3A_142], %broadcast_in_dim3A_136 {strides = array<i32>} : memref<1024xf32, #tpu.memory_space<vmem>>, vector<16xf32>,
    %swap3A_144 = arith.constant 64 : index
    %swap3A_145 = tpu.vector_load %arg9[%swap3A_144] {strides = array<i32>} : memref<1024xf32, #tpu.memory_space<vmem>>, vector<16xf32>,
    tpu.vector_store %arg9[%swap3A_144], %broadcast_in_dim3A_136 {strides = array<i32>} : memref<1024xf32, #tpu.memory_space<vmem>>, vector<16xf32>,
    %swap3A_146 = arith.constant 80 : index
    %swap3A_147 = tpu.vector_load %arg9[%swap3A_146] {strides = array<i32>} : memref<1024xf32, #tpu.memory_space<vmem>>, vector<16xf32>,
    tpu.vector_store %arg9[%swap3A_146], %broadcast_in_dim3A_136 {strides = array<i32>} : memref<1024xf32, #tpu.memory_space<vmem>>, vector<16xf32>,
    %swap3A_148 = arith.constant 96 : index
    %swap3A_149 = tpu.vector_load %arg9[%swap3A_148] {strides = array<i32>} : memref<1024xf32, #tpu.memory_space<vmem>>, vector<16xf32>,
    tpu.vector_store %arg9[%swap3A_148], %broadcast_in_dim3A_136 {strides = array<i32>} : memref<1024xf32, #tpu.memory_space<vmem>>, vector<16xf32>,
    %swap3A_150 = arith.constant 112 : index
    %swap3A_151 = tpu.vector_load %arg9[%swap3A_150] {strides = array<i32>} : memref<1024xf32, #tpu.memory_space<vmem>>, vector<16xf32>,
    tpu.vector_store %arg9[%swap3A_150], %broadcast_in_dim3A_136 {strides = array<i32>} : memref<1024xf32, #tpu.memory_space<vmem>>, vector<16xf32>,
    %swap3A_152 = arith.constant 128 : index
    %swap3A_153 = tpu.vector_load %arg9[%swap3A_152] {strides = array<i32>} : memref<1024xf32, #tpu.memory_space<vmem>>, vector<16xf32>,
    tpu.vector_store %arg9[%swap3A_152], %broadcast_in_dim3A_136 {strides = array<i32>} : memref<1024xf32, #tpu.memory_space<vmem>>, vector<16xf32>,
    %swap3A_154 = arith.constant 144 : index
    %swap3A_155 = tpu.vector_load %arg9[%swap3A_154] {strides = array<i32>} : memref<1024xf32, #tpu.memory_space<vmem>>, vector<16xf32>,
    tpu.vector_store %arg9[%swap3A_154], %broadcast_in_dim3A_136 {strides = array<i32>} : memref<1024xf32, #tpu.memory_space<vmem>>, vector<16xf32>,
    %swap3A_156 = arith.constant 160 : index
    %swap3A_157 = tpu.vector_load %arg9[%swap3A_156] {strides = array<i32>} : memref<1024xf32, #tpu.memory_space<vmem>>, vector<16xf32>,
    tpu.vector_store %arg9[%swap3A_156], %broadcast_in_dim3A_136 {strides = array<i32>} : memref<1024xf32, #tpu.memory_space<vmem>>, vector<16xf32>,
    %swap3A_158 = arith.constant 176 : index
    %swap3A_159 = tpu.vector_load %arg9[%swap3A_158] {strides = array<i32>} : memref<1024xf32, #tpu.memory_space<vmem>>, vector<16xf32>,
    tpu.vector_store %arg9[%swap3A_158], %broadcast_in_dim3A_136 {strides = array<i32>} : memref<1024xf32, #tpu.memory_space<vmem>>, vector<16xf32>,
    %swap3A_160 = arith.constant 192 : index
    %swap3A_161 = tpu.vector_load %arg9[%swap3A_160] {strides = array<i32>} : memref<1024xf32, #tpu.memory_space<vmem>>, vector<16xf32>,
    tpu.vector_store %arg9[%swap3A_160], %broadcast_in_dim3A_136 {strides = array<i32>} : memref<1024xf32, #tpu.memory_space<vmem>>, vector<16xf32>,
    %swap3A_162 = arith.constant 208 : index
    %swap3A_163 = tpu.vector_load %arg9[%swap3A_162] {strides = array<i32>} : memref<1024xf32, #tpu.memory_space<vmem>>, vector<16xf32>,
    tpu.vector_store %arg9[%swap3A_162], %broadcast_in_dim3A_136 {strides = array<i32>} : memref<1024xf32, #tpu.memory_space<vmem>>, vector<16xf32>,
    %swap3A_164 = arith.constant 224 : index
    %swap3A_165 = tpu.vector_load %arg9[%swap3A_164] {strides = array<i32>} : memref<1024xf32, #tpu.memory_space<vmem>>, vector<16xf32>,
    tpu.vector_store %arg9[%swap3A_164], %broadcast_in_dim3A_136 {strides = array<i32>} : memref<1024xf32, #tpu.memory_space<vmem>>, vector<16xf32>,
    %swap3A_166 = arith.constant 240 : index
    %swap3A_167 = tpu.vector_load %arg9[%swap3A_166] {strides = array<i32>} : memref<1024xf32, #tpu.memory_space<vmem>>, vector<16xf32>,
    tpu.vector_store %arg9[%swap3A_166], %broadcast_in_dim3A_136 {strides = array<i32>} : memref<1024xf32, #tpu.memory_space<vmem>>, vector<16xf32>,
    %swap3A_168 = arith.constant 256 : index
    %swap3A_169 = tpu.vector_load %arg9[%swap3A_168] {strides = array<i32>} : memref<1024xf32, #tpu.memory_space<vmem>>, vector<16xf32>,
    tpu.vector_store %arg9[%swap3A_168], %broadcast_in_dim3A_136 {strides = array<i32>} : memref<1024xf32, #tpu.memory_space<vmem>>, vector<16xf32>,
    %swap3A_170 = arith.constant 272 : index
    %swap3A_171 = tpu.vector_load %arg9[%swap3A_170] {strides = array<i32>} : memref<1024xf32, #tpu.memory_space<vmem>>, vector<16xf32>,
    tpu.vector_store %arg9[%swap3A_170], %broadcast_in_dim3A_136 {strides = array<i32>} : memref<1024xf32, #tpu.memory_space<vmem>>, vector<16xf32>,
    %swap3A_172 = arith.constant 288 : index
    %swap3A_173 = tpu.vector_load %arg9[%swap3A_172] {strides = array<i32>} : memref<1024xf32, #tpu.memory_space<vmem>>, vector<16xf32>,
    tpu.vector_store %arg9[%swap3A_172], %broadcast_in_dim3A_136 {strides = array<i32>} : memref<1024xf32, #tpu.memory_space<vmem>>, vector<16xf32>,
    %swap3A_174 = arith.constant 304 : index
    %swap3A_175 = tpu.vector_load %arg9[%swap3A_174] {strides = array<i32>} : memref<1024xf32, #tpu.memory_space<vmem>>, vector<16xf32>,
    tpu.vector_store %arg9[%swap3A_174], %broadcast_in_dim3A_136 {strides = array<i32>} : memref<1024xf32, #tpu.memory_space<vmem>>, vector<16xf32>,
    %swap3A_176 = arith.constant 320 : index
    %swap3A_177 = tpu.vector_load %arg9[%swap3A_176] {strides = array<i32>} : memref<1024xf32, #tpu.memory_space<vmem>>, vector<16xf32>,
    tpu.vector_store %arg9[%swap3A_176], %broadcast_in_dim3A_136 {strides = array<i32>} : memref<1024xf32, #tpu.memory_space<vmem>>, vector<16xf32>,
    %swap3A_178 = arith.constant 336 : index
    %swap3A_179 = tpu.vector_load %arg9[%swap3A_178] {strides = array<i32>} : memref<1024xf32, #tpu.memory_space<vmem>>, vector<16xf32>,
    tpu.vector_store %arg9[%swap3A_178], %broadcast_in_dim3A_136 {strides = array<i32>} : memref<1024xf32, #tpu.memory_space<vmem>>, vector<16xf32>,
    %swap3A_180 = arith.constant 352 : index
    %swap3A_181 = tpu.vector_load %arg9[%swap3A_180] {strides = array<i32>} : memref<1024xf32, #tpu.memory_space<vmem>>, vector<16xf32>,
    tpu.vector_store %arg9[%swap3A_180], %broadcast_in_dim3A_136 {strides = array<i32>} : memref<1024xf32, #tpu.memory_space<vmem>>, vector<16xf32>,
    %swap3A_182 = arith.constant 368 : index
    %swap3A_183 = tpu.vector_load %arg9[%swap3A_182] {strides = array<i32>} : memref<1024xf32, #tpu.memory_space<vmem>>, vector<16xf32>,
    tpu.vector_store %arg9[%swap3A_182], %broadcast_in_dim3A_136 {strides = array<i32>} : memref<1024xf32, #tpu.memory_space<vmem>>, vector<16xf32>,
    %swap3A_184 = arith.constant 384 : index
    %swap3A_185 = tpu.vector_load %arg9[%swap3A_184] {strides = array<i32>} : memref<1024xf32, #tpu.memory_space<vmem>>, vector<16xf32>,
    tpu.vector_store %arg9[%swap3A_184], %broadcast_in_dim3A_136 {strides = array<i32>} : memref<1024xf32, #tpu.memory_space<vmem>>, vector<16xf32>,
    %swap3A_186 = arith.constant 400 : index
    %swap3A_187 = tpu.vector_load %arg9[%swap3A_186] {strides = array<i32>} : memref<1024xf32, #tpu.memory_space<vmem>>, vector<16xf32>,
    tpu.vector_store %arg9[%swap3A_186], %broadcast_in_dim3A_136 {strides = array<i32>} : memref<1024xf32, #tpu.memory_space<vmem>>, vector<16xf32>,
    %swap3A_188 = arith.constant 416 : index
    %swap3A_189 = tpu.vector_load %arg9[%swap3A_188] {strides = array<i32>} : memref<1024xf32, #tpu.memory_space<vmem>>, vector<16xf32>,
    tpu.vector_store %arg9[%swap3A_188], %broadcast_in_dim3A_136 {strides = array<i32>} : memref<1024xf32, #tpu.memory_space<vmem>>, vector<16xf32>,
    %swap3A_190 = arith.constant 432 : index
    %swap3A_191 = tpu.vector_load %arg9[%swap3A_190] {strides = array<i32>} : memref<1024xf32, #tpu.memory_space<vmem>>, vector<16xf32>,
    tpu.vector_store %arg9[%swap3A_190], %broadcast_in_dim3A_136 {strides = array<i32>} : memref<1024xf32, #tpu.memory_space<vmem>>, vector<16xf32>,
    %swap3A_192 = arith.constant 448 : index
    %swap3A_193 = tpu.vector_load %arg9[%swap3A_192] {strides = array<i32>} : memref<1024xf32, #tpu.memory_space<vmem>>, vector<16xf32>,
    tpu.vector_store %arg9[%swap3A_192], %broadcast_in_dim3A_136 {strides = array<i32>} : memref<1024xf32, #tpu.memory_space<vmem>>, vector<16xf32>,
    %swap3A_194 = arith.constant 464 : index
    %swap3A_195 = tpu.vector_load %arg9[%swap3A_194] {strides = array<i32>} : memref<1024xf32, #tpu.memory_space<vmem>>, vector<16xf32>,
    tpu.vector_store %arg9[%swap3A_194], %broadcast_in_dim3A_136 {strides = array<i32>} : memref<1024xf32, #tpu.memory_space<vmem>>, vector<16xf32>,
    %swap3A_196 = arith.constant 480 : index
    %swap3A_197 = tpu.vector_load %arg9[%swap3A_196] {strides = array<i32>} : memref<1024xf32, #tpu.memory_space<vmem>>, vector<16xf32>,
    tpu.vector_store %arg9[%swap3A_196], %broadcast_in_dim3A_136 {strides = array<i32>} : memref<1024xf32, #tpu.memory_space<vmem>>, vector<16xf32>,
    %swap3A_198 = arith.constant 496 : index
    %swap3A_199 = tpu.vector_load %arg9[%swap3A_198] {strides = array<i32>} : memref<1024xf32, #tpu.memory_space<vmem>>, vector<16xf32>,
    tpu.vector_store %arg9[%swap3A_198], %broadcast_in_dim3A_136 {strides = array<i32>} : memref<1024xf32, #tpu.memory_space<vmem>>, vector<16xf32>,
    %swap3A_200 = arith.constant 512 : index
    %swap3A_201 = tpu.vector_load %arg9[%swap3A_200] {strides = array<i32>} : memref<1024xf32, #tpu.memory_space<vmem>>, vector<16xf32>,
    tpu.vector_store %arg9[%swap3A_200], %broadcast_in_dim3A_136 {strides = array<i32>} : memref<1024xf32, #tpu.memory_space<vmem>>, vector<16xf32>,
    %swap3A_202 = arith.constant 528 : index
    %swap3A_203 = tpu.vector_load %arg9[%swap3A_202] {strides = array<i32>} : memref<1024xf32, #tpu.memory_space<vmem>>, vector<16xf32>,
    tpu.vector_store %arg9[%swap3A_202], %broadcast_in_dim3A_136 {strides = array<i32>} : memref<1024xf32, #tpu.memory_space<vmem>>, vector<16xf32>,
    %swap3A_204 = arith.constant 544 : index
    %swap3A_205 = tpu.vector_load %arg9[%swap3A_204] {strides = array<i32>} : memref<1024xf32, #tpu.memory_space<vmem>>, vector<16xf32>,
    tpu.vector_store %arg9[%swap3A_204], %broadcast_in_dim3A_136 {strides = array<i32>} : memref<1024xf32, #tpu.memory_space<vmem>>, vector<16xf32>,
    %swap3A_206 = arith.constant 560 : index
    %swap3A_207 = tpu.vector_load %arg9[%swap3A_206] {strides = array<i32>} : memref<1024xf32, #tpu.memory_space<vmem>>, vector<16xf32>,
    tpu.vector_store %arg9[%swap3A_206], %broadcast_in_dim3A_136 {strides = array<i32>} : memref<1024xf32, #tpu.memory_space<vmem>>, vector<16xf32>,
    %swap3A_208 = arith.constant 576 : index
    %swap3A_209 = tpu.vector_load %arg9[%swap3A_208] {strides = array<i32>} : memref<1024xf32, #tpu.memory_space<vmem>>, vector<16xf32>,
    tpu.vector_store %arg9[%swap3A_208], %broadcast_in_dim3A_136 {strides = array<i32>} : memref<1024xf32, #tpu.memory_space<vmem>>, vector<16xf32>,
    %swap3A_210 = arith.constant 592 : index
    %swap3A_211 = tpu.vector_load %arg9[%swap3A_210] {strides = array<i32>} : memref<1024xf32, #tpu.memory_space<vmem>>, vector<16xf32>,
    tpu.vector_store %arg9[%swap3A_210], %broadcast_in_dim3A_136 {strides = array<i32>} : memref<1024xf32, #tpu.memory_space<vmem>>, vector<16xf32>,
    %swap3A_212 = arith.constant 608 : index
    %swap3A_213 = tpu.vector_load %arg9[%swap3A_212] {strides = array<i32>} : memref<1024xf32, #tpu.memory_space<vmem>>, vector<16xf32>,
    tpu.vector_store %arg9[%swap3A_212], %broadcast_in_dim3A_136 {strides = array<i32>} : memref<1024xf32, #tpu.memory_space<vmem>>, vector<16xf32>,
    %swap3A_214 = arith.constant 624 : index
    %swap3A_215 = tpu.vector_load %arg9[%swap3A_214] {strides = array<i32>} : memref<1024xf32, #tpu.memory_space<vmem>>, vector<16xf32>,
    tpu.vector_store %arg9[%swap3A_214], %broadcast_in_dim3A_136 {strides = array<i32>} : memref<1024xf32, #tpu.memory_space<vmem>>, vector<16xf32>,
    %swap3A_216 = arith.constant 640 : index
    %swap3A_217 = tpu.vector_load %arg9[%swap3A_216] {strides = array<i32>} : memref<1024xf32, #tpu.memory_space<vmem>>, vector<16xf32>,
    tpu.vector_store %arg9[%swap3A_216], %broadcast_in_dim3A_136 {strides = array<i32>} : memref<1024xf32, #tpu.memory_space<vmem>>, vector<16xf32>,
    %swap3A_218 = arith.constant 656 : index
    %swap3A_219 = tpu.vector_load %arg9[%swap3A_218] {strides = array<i32>} : memref<1024xf32, #tpu.memory_space<vmem>>, vector<16xf32>,
    tpu.vector_store %arg9[%swap3A_218], %broadcast_in_dim3A_136 {strides = array<i32>} : memref<1024xf32, #tpu.memory_space<vmem>>, vector<16xf32>,
    %swap3A_220 = arith.constant 672 : index
    %swap3A_221 = tpu.vector_load %arg9[%swap3A_220] {strides = array<i32>} : memref<1024xf32, #tpu.memory_space<vmem>>, vector<16xf32>,
    tpu.vector_store %arg9[%swap3A_220], %broadcast_in_dim3A_136 {strides = array<i32>} : memref<1024xf32, #tpu.memory_space<vmem>>, vector<16xf32>,
    %swap3A_222 = arith.constant 688 : index
    %swap3A_223 = tpu.vector_load %arg9[%swap3A_222] {strides = array<i32>} : memref<1024xf32, #tpu.memory_space<vmem>>, vector<16xf32>,
    tpu.vector_store %arg9[%swap3A_222], %broadcast_in_dim3A_136 {strides = array<i32>} : memref<1024xf32, #tpu.memory_space<vmem>>, vector<16xf32>,
    %swap3A_224 = arith.constant 704 : index
    %swap3A_225 = tpu.vector_load %arg9[%swap3A_224] {strides = array<i32>} : memref<1024xf32, #tpu.memory_space<vmem>>, vector<16xf32>,
    tpu.vector_store %arg9[%swap3A_224], %broadcast_in_dim3A_136 {strides = array<i32>} : memref<1024xf32, #tpu.memory_space<vmem>>, vector<16xf32>,
    %swap3A_226 = arith.constant 720 : index
    %swap3A_227 = tpu.vector_load %arg9[%swap3A_226] {strides = array<i32>} : memref<1024xf32, #tpu.memory_space<vmem>>, vector<16xf32>,
    tpu.vector_store %arg9[%swap3A_226], %broadcast_in_dim3A_136 {strides = array<i32>} : memref<1024xf32, #tpu.memory_space<vmem>>, vector<16xf32>,
    %swap3A_228 = arith.constant 736 : index
    %swap3A_229 = tpu.vector_load %arg9[%swap3A_228] {strides = array<i32>} : memref<1024xf32, #tpu.memory_space<vmem>>, vector<16xf32>,
    tpu.vector_store %arg9[%swap3A_228], %broadcast_in_dim3A_136 {strides = array<i32>} : memref<1024xf32, #tpu.memory_space<vmem>>, vector<16xf32>,
    %swap3A_230 = arith.constant 752 : index
    %swap3A_231 = tpu.vector_load %arg9[%swap3A_230] {strides = array<i32>} : memref<1024xf32, #tpu.memory_space<vmem>>, vector<16xf32>,
    tpu.vector_store %arg9[%swap3A_230], %broadcast_in_dim3A_136 {strides = array<i32>} : memref<1024xf32, #tpu.memory_space<vmem>>, vector<16xf32>,
    %swap3A_232 = arith.constant 768 : index
    %swap3A_233 = tpu.vector_load %arg9[%swap3A_232] {strides = array<i32>} : memref<1024xf32, #tpu.memory_space<vmem>>, vector<16xf32>,
    tpu.vector_store %arg9[%swap3A_232], %broadcast_in_dim3A_136 {strides = array<i32>} : memref<1024xf32, #tpu.memory_space<vmem>>, vector<16xf32>,
    %swap3A_234 = arith.constant 784 : index
    %swap3A_235 = tpu.vector_load %arg9[%swap3A_234] {strides = array<i32>} : memref<1024xf32, #tpu.memory_space<vmem>>, vector<16xf32>,
    tpu.vector_store %arg9[%swap3A_234], %broadcast_in_dim3A_136 {strides = array<i32>} : memref<1024xf32, #tpu.memory_space<vmem>>, vector<16xf32>,
    %swap3A_236 = arith.constant 800 : index
    %swap3A_237 = tpu.vector_load %arg9[%swap3A_236] {strides = array<i32>} : memref<1024xf32, #tpu.memory_space<vmem>>, vector<16xf32>,
    tpu.vector_store %arg9[%swap3A_236], %broadcast_in_dim3A_136 {strides = array<i32>} : memref<1024xf32, #tpu.memory_space<vmem>>, vector<16xf32>,
    %swap3A_238 = arith.constant 816 : index
    %swap3A_239 = tpu.vector_load %arg9[%swap3A_238] {strides = array<i32>} : memref<1024xf32, #tpu.memory_space<vmem>>, vector<16xf32>,
    tpu.vector_store %arg9[%swap3A_238], %broadcast_in_dim3A_136 {strides = array<i32>} : memref<1024xf32, #tpu.memory_space<vmem>>, vector<16xf32>,
    %swap3A_240 = arith.constant 832 : index
    %swap3A_241 = tpu.vector_load %arg9[%swap3A_240] {strides = array<i32>} : memref<1024xf32, #tpu.memory_space<vmem>>, vector<16xf32>,
    tpu.vector_store %arg9[%swap3A_240], %broadcast_in_dim3A_136 {strides = array<i32>} : memref<1024xf32, #tpu.memory_space<vmem>>, vector<16xf32>,
    %swap3A_242 = arith.constant 848 : index
    %swap3A_243 = tpu.vector_load %arg9[%swap3A_242] {strides = array<i32>} : memref<1024xf32, #tpu.memory_space<vmem>>, vector<16xf32>,
    tpu.vector_store %arg9[%swap3A_242], %broadcast_in_dim3A_136 {strides = array<i32>} : memref<1024xf32, #tpu.memory_space<vmem>>, vector<16xf32>,
    %swap3A_244 = arith.constant 864 : index
    %swap3A_245 = tpu.vector_load %arg9[%swap3A_244] {strides = array<i32>} : memref<1024xf32, #tpu.memory_space<vmem>>, vector<16xf32>,
    tpu.vector_store %arg9[%swap3A_244], %broadcast_in_dim3A_136 {strides = array<i32>} : memref<1024xf32, #tpu.memory_space<vmem>>, vector<16xf32>,
    %swap3A_246 = arith.constant 880 : index
    %swap3A_247 = tpu.vector_load %arg9[%swap3A_246] {strides = array<i32>} : memref<1024xf32, #tpu.memory_space<vmem>>, vector<16xf32>,
    tpu.vector_store %arg9[%swap3A_246], %broadcast_in_dim3A_136 {strides = array<i32>} : memref<1024xf32, #tpu.memory_space<vmem>>, vector<16xf32>,
    %swap3A_248 = arith.constant 896 : index
    %swap3A_249 = tpu.vector_load %arg9[%swap3A_248] {strides = array<i32>} : memref<1024xf32, #tpu.memory_space<vmem>>, vector<16xf32>,
    tpu.vector_store %arg9[%swap3A_248], %broadcast_in_dim3A_136 {strides = array<i32>} : memref<1024xf32, #tpu.memory_space<vmem>>, vector<16xf32>,
    %swap3A_250 = arith.constant 912 : index
    %swap3A_251 = tpu.vector_load %arg9[%swap3A_250] {strides = array<i32>} : memref<1024xf32, #tpu.memory_space<vmem>>, vector<16xf32>,
    tpu.vector_store %arg9[%swap3A_250], %broadcast_in_dim3A_136 {strides = array<i32>} : memref<1024xf32, #tpu.memory_space<vmem>>, vector<16xf32>,
    %swap3A_252 = arith.constant 928 : index
    %swap3A_253 = tpu.vector_load %arg9[%swap3A_252] {strides = array<i32>} : memref<1024xf32, #tpu.memory_space<vmem>>, vector<16xf32>,
    tpu.vector_store %arg9[%swap3A_252], %broadcast_in_dim3A_136 {strides = array<i32>} : memref<1024xf32, #tpu.memory_space<vmem>>, vector<16xf32>,
    %swap3A_254 = arith.constant 944 : index
    %swap3A_255 = tpu.vector_load %arg9[%swap3A_254] {strides = array<i32>} : memref<1024xf32, #tpu.memory_space<vmem>>, vector<16xf32>,
    tpu.vector_store %arg9[%swap3A_254], %broadcast_in_dim3A_136 {strides = array<i32>} : memref<1024xf32, #tpu.memory_space<vmem>>, vector<16xf32>,
    %swap3A_256 = arith.constant 960 : index
    %swap3A_257 = tpu.vector_load %arg9[%swap3A_256] {strides = array<i32>} : memref<1024xf32, #tpu.memory_space<vmem>>, vector<16xf32>,
    tpu.vector_store %arg9[%swap3A_256], %broadcast_in_dim3A_136 {strides = array<i32>} : memref<1024xf32, #tpu.memory_space<vmem>>, vector<16xf32>,
    %swap3A_258 = arith.constant 976 : index
    %swap3A_259 = tpu.vector_load %arg9[%swap3A_258] {strides = array<i32>} : memref<1024xf32, #tpu.memory_space<vmem>>, vector<16xf32>,
    tpu.vector_store %arg9[%swap3A_258], %broadcast_in_dim3A_136 {strides = array<i32>} : memref<1024xf32, #tpu.memory_space<vmem>>, vector<16xf32>,
    %swap3A_260 = arith.constant 992 : index
    %swap3A_261 = tpu.vector_load %arg9[%swap3A_260] {strides = array<i32>} : memref<1024xf32, #tpu.memory_space<vmem>>, vector<16xf32>,
    tpu.vector_store %arg9[%swap3A_260], %broadcast_in_dim3A_136 {strides = array<i32>} : memref<1024xf32, #tpu.memory_space<vmem>>, vector<16xf32>,
    %swap3A_262 = arith.constant 1008 : index
    %swap3A_263 = tpu.vector_load %arg9[%swap3A_262] {strides = array<i32>} : memref<1024xf32, #tpu.memory_space<vmem>>, vector<16xf32>,
    tpu.vector_store %arg9[%swap3A_262], %broadcast_in_dim3A_136 {strides = array<i32>} : memref<1024xf32, #tpu.memory_space<vmem>>, vector<16xf32>,
    %broadcast_in_dim3A_264 = arith.constant 1.000000e+00 : f32
    %broadcast_in_dim3A_265 = vector.broadcast %broadcast_in_dim3A_264 : f32 to vector<16xf32>
    %dma_wait3A = arith.constant 0 : i32
    %dma_wait3A_266 = tpu.memref_slice %arg5[%dma_wait3A] : memref<6272xi32, #tpu.memory_space<vmem>> -> memref<3136xi32, #tpu.memory_space<vmem>>
    %dma_wait3A_267 = tpu.memref_slice %arg3[%add3A_35] : memref<200704xi32, #tpu.memory_space<hbm>> -> memref<3136xi32, #tpu.memory_space<hbm>>
    %dma_wait3A_268 = arith.constant 0 : i32
    %dma_wait3A_269 = tpu.memref_slice %arg5[%dma_wait3A_268] : memref<6272xi32, #tpu.memory_space<vmem>> -> memref<3136xi32, #tpu.memory_space<vmem>>
    %dma_wait3A_270 = tpu.memref_slice %arg3[%add3A_35] : memref<200704xi32, #tpu.memory_space<hbm>> -> memref<3136xi32, #tpu.memory_space<hbm>>
    tpu.wait_dma2 semaphore(%arg10 : memref<!tpu.dma_semaphore, #tpu.memory_space<semaphore_mem>>) src(%dma_wait3A_270 : memref<3136xi32, #tpu.memory_space<hbm>>) dst(%dma_wait3A_269 : memref<3136xi32, #tpu.memory_space<vmem>>)
    %dma_wait3A_271 = arith.constant 0 : i32
    %dma_wait3A_272 = tpu.memref_slice %arg6[%dma_wait3A_271] : memref<6272xf32, #tpu.memory_space<vmem>> -> memref<3136xf32, #tpu.memory_space<vmem>>
    %dma_wait3A_273 = tpu.memref_slice %arg2[%add3A_47] : memref<602112xf32, #tpu.memory_space<hbm>> -> memref<3136xf32, #tpu.memory_space<hbm>>
    %dma_wait3A_274 = arith.constant 0 : i32
    %dma_wait3A_275 = tpu.memref_slice %arg6[%dma_wait3A_274] : memref<6272xf32, #tpu.memory_space<vmem>> -> memref<3136xf32, #tpu.memory_space<vmem>>
    %dma_wait3A_276 = tpu.memref_slice %arg2[%add3A_47] : memref<602112xf32, #tpu.memory_space<hbm>> -> memref<3136xf32, #tpu.memory_space<hbm>>
    tpu.wait_dma2 semaphore(%arg10 : memref<!tpu.dma_semaphore, #tpu.memory_space<semaphore_mem>>) src(%dma_wait3A_276 : memref<3136xf32, #tpu.memory_space<hbm>>) dst(%dma_wait3A_275 : memref<3136xf32, #tpu.memory_space<vmem>>)
    %dma_wait3A_277 = arith.constant 0 : i32
    %dma_wait3A_278 = tpu.memref_slice %arg7[%dma_wait3A_277] : memref<6272xf32, #tpu.memory_space<vmem>> -> memref<3136xf32, #tpu.memory_space<vmem>>
    %dma_wait3A_279 = tpu.memref_slice %arg2[%add3A_60] : memref<602112xf32, #tpu.memory_space<hbm>> -> memref<3136xf32, #tpu.memory_space<hbm>>
    %dma_wait3A_280 = arith.constant 0 : i32
    %dma_wait3A_281 = tpu.memref_slice %arg7[%dma_wait3A_280] : memref<6272xf32, #tpu.memory_space<vmem>> -> memref<3136xf32, #tpu.memory_space<vmem>>
    %dma_wait3A_282 = tpu.memref_slice %arg2[%add3A_60] : memref<602112xf32, #tpu.memory_space<hbm>> -> memref<3136xf32, #tpu.memory_space<hbm>>
    tpu.wait_dma2 semaphore(%arg10 : memref<!tpu.dma_semaphore, #tpu.memory_space<semaphore_mem>>) src(%dma_wait3A_282 : memref<3136xf32, #tpu.memory_space<hbm>>) dst(%dma_wait3A_281 : memref<3136xf32, #tpu.memory_space<vmem>>)
    %dma_wait3A_283 = arith.constant 0 : i32
    %dma_wait3A_284 = tpu.memref_slice %arg8[%dma_wait3A_283] : memref<6272xf32, #tpu.memory_space<vmem>> -> memref<3136xf32, #tpu.memory_space<vmem>>
    %dma_wait3A_285 = tpu.memref_slice %arg2[%add3A_73] : memref<602112xf32, #tpu.memory_space<hbm>> -> memref<3136xf32, #tpu.memory_space<hbm>>
    %dma_wait3A_286 = arith.constant 0 : i32
    %dma_wait3A_287 = tpu.memref_slice %arg8[%dma_wait3A_286] : memref<6272xf32, #tpu.memory_space<vmem>> -> memref<3136xf32, #tpu.memory_space<vmem>>
    %dma_wait3A_288 = tpu.memref_slice %arg2[%add3A_73] : memref<602112xf32, #tpu.memory_space<hbm>> -> memref<3136xf32, #tpu.memory_space<hbm>>
    tpu.wait_dma2 semaphore(%arg10 : memref<!tpu.dma_semaphore, #tpu.memory_space<semaphore_mem>>) src(%dma_wait3A_288 : memref<3136xf32, #tpu.memory_space<hbm>>) dst(%dma_wait3A_287 : memref<3136xf32, #tpu.memory_space<vmem>>)
    %scan3A = arith.constant 0 : i32
    %scan3A_289 = arith.constant 0 : i32
    %scan3A_290 = arith.constant 24 : i32
    %scan3A_291 = arith.addi %scan3A_289, %scan3A_290 : i32
    %scan3A_292 = arith.constant 1 : i32
    scf.for %scan3A_326 = %scan3A_289 to %scan3A_291 step %scan3A_292  : i32 {
      %mul3A_327 = arith.constant 128 : i32
      %mul3A_328 = arith.muli %scan3A_326, %mul3A_327 : i32
      %add3A_329 = arith.constant 0 : i32
      %add3A_330 = arith.addi %mul3A_328, %add3A_329 : i32
      %get3A = arith.index_cast %add3A_330 : i32 to index
      %get3A_331 = tpu.vector_load %arg5[%get3A] {strides = array<i32>} : memref<6272xi32, #tpu.memory_space<vmem>>, vector<16xi32>,
      %add3A_332 = arith.constant 16 : i32
      %add3A_333 = arith.addi %mul3A_328, %add3A_332 : i32
      %get3A_334 = arith.index_cast %add3A_333 : i32 to index
      %get3A_335 = tpu.vector_load %arg5[%get3A_334] {strides = array<i32>} : memref<6272xi32, #tpu.memory_space<vmem>>, vector<16xi32>,
      %add3A_336 = arith.constant 32 : i32
      %add3A_337 = arith.addi %mul3A_328, %add3A_336 : i32
      %get3A_338 = arith.index_cast %add3A_337 : i32 to index
      %get3A_339 = tpu.vector_load %arg5[%get3A_338] {strides = array<i32>} : memref<6272xi32, #tpu.memory_space<vmem>>, vector<16xi32>,
      %add3A_340 = arith.constant 48 : i32
      %add3A_341 = arith.addi %mul3A_328, %add3A_340 : i32
      %get3A_342 = arith.index_cast %add3A_341 : i32 to index
      %get3A_343 = tpu.vector_load %arg5[%get3A_342] {strides = array<i32>} : memref<6272xi32, #tpu.memory_space<vmem>>, vector<16xi32>,
      %add3A_344 = arith.constant 64 : i32
      %add3A_345 = arith.addi %mul3A_328, %add3A_344 : i32
      %get3A_346 = arith.index_cast %add3A_345 : i32 to index
      %get3A_347 = tpu.vector_load %arg5[%get3A_346] {strides = array<i32>} : memref<6272xi32, #tpu.memory_space<vmem>>, vector<16xi32>,
      %add3A_348 = arith.constant 80 : i32
      %add3A_349 = arith.addi %mul3A_328, %add3A_348 : i32
      %get3A_350 = arith.index_cast %add3A_349 : i32 to index
      %get3A_351 = tpu.vector_load %arg5[%get3A_350] {strides = array<i32>} : memref<6272xi32, #tpu.memory_space<vmem>>, vector<16xi32>,
      %add3A_352 = arith.constant 96 : i32
      %add3A_353 = arith.addi %mul3A_328, %add3A_352 : i32
      %get3A_354 = arith.index_cast %add3A_353 : i32 to index
      %get3A_355 = tpu.vector_load %arg5[%get3A_354] {strides = array<i32>} : memref<6272xi32, #tpu.memory_space<vmem>>, vector<16xi32>,
      %add3A_356 = arith.constant 112 : i32
      %add3A_357 = arith.addi %mul3A_328, %add3A_356 : i32
      %get3A_358 = arith.index_cast %add3A_357 : i32 to index
      %get3A_359 = tpu.vector_load %arg5[%get3A_358] {strides = array<i32>} : memref<6272xi32, #tpu.memory_space<vmem>>, vector<16xi32>,
      %add3A_360 = arith.constant 0 : i32
      %add3A_361 = arith.addi %mul3A_328, %add3A_360 : i32
      %get3A_362 = arith.index_cast %add3A_361 : i32 to index
      %get3A_363 = tpu.vector_load %arg6[%get3A_362] {strides = array<i32>} : memref<6272xf32, #tpu.memory_space<vmem>>, vector<16xf32>,
      %add3A_364 = arith.constant 0 : i32
      %add3A_365 = vector.broadcast %add3A_364 : i32 to vector<16xi32>
      %add3A_366 = arith.addi %get3A_331, %add3A_365 : vector<16xi32>
      tpu.vector_store_idx %arg9[%add3A_366], %get3A_363 {add = true} : memref<1024xf32, #tpu.memory_space<vmem>>[vector<16xi32>], vector<16xf32>,
      %add3A_367 = arith.constant 16 : i32
      %add3A_368 = arith.addi %mul3A_328, %add3A_367 : i32
      %get3A_369 = arith.index_cast %add3A_368 : i32 to index
      %get3A_370 = tpu.vector_load %arg6[%get3A_369] {strides = array<i32>} : memref<6272xf32, #tpu.memory_space<vmem>>, vector<16xf32>,
      %add3A_371 = arith.constant 0 : i32
      %add3A_372 = vector.broadcast %add3A_371 : i32 to vector<16xi32>
      %add3A_373 = arith.addi %get3A_335, %add3A_372 : vector<16xi32>
      tpu.vector_store_idx %arg9[%add3A_373], %get3A_370 {add = true} : memref<1024xf32, #tpu.memory_space<vmem>>[vector<16xi32>], vector<16xf32>,
      %add3A_374 = arith.constant 32 : i32
      %add3A_375 = arith.addi %mul3A_328, %add3A_374 : i32
      %get3A_376 = arith.index_cast %add3A_375 : i32 to index
      %get3A_377 = tpu.vector_load %arg6[%get3A_376] {strides = array<i32>} : memref<6272xf32, #tpu.memory_space<vmem>>, vector<16xf32>,
      %add3A_378 = arith.constant 0 : i32
      %add3A_379 = vector.broadcast %add3A_378 : i32 to vector<16xi32>
      %add3A_380 = arith.addi %get3A_339, %add3A_379 : vector<16xi32>
      tpu.vector_store_idx %arg9[%add3A_380], %get3A_377 {add = true} : memref<1024xf32, #tpu.memory_space<vmem>>[vector<16xi32>], vector<16xf32>,
      %add3A_381 = arith.constant 48 : i32
      %add3A_382 = arith.addi %mul3A_328, %add3A_381 : i32
      %get3A_383 = arith.index_cast %add3A_382 : i32 to index
      %get3A_384 = tpu.vector_load %arg6[%get3A_383] {strides = array<i32>} : memref<6272xf32, #tpu.memory_space<vmem>>, vector<16xf32>,
      %add3A_385 = arith.constant 0 : i32
      %add3A_386 = vector.broadcast %add3A_385 : i32 to vector<16xi32>
      %add3A_387 = arith.addi %get3A_343, %add3A_386 : vector<16xi32>
      tpu.vector_store_idx %arg9[%add3A_387], %get3A_384 {add = true} : memref<1024xf32, #tpu.memory_space<vmem>>[vector<16xi32>], vector<16xf32>,
      %add3A_388 = arith.constant 64 : i32
      %add3A_389 = arith.addi %mul3A_328, %add3A_388 : i32
      %get3A_390 = arith.index_cast %add3A_389 : i32 to index
      %get3A_391 = tpu.vector_load %arg6[%get3A_390] {strides = array<i32>} : memref<6272xf32, #tpu.memory_space<vmem>>, vector<16xf32>,
      %add3A_392 = arith.constant 0 : i32
      %add3A_393 = vector.broadcast %add3A_392 : i32 to vector<16xi32>
      %add3A_394 = arith.addi %get3A_347, %add3A_393 : vector<16xi32>
      tpu.vector_store_idx %arg9[%add3A_394], %get3A_391 {add = true} : memref<1024xf32, #tpu.memory_space<vmem>>[vector<16xi32>], vector<16xf32>,
      %add3A_395 = arith.constant 80 : i32
      %add3A_396 = arith.addi %mul3A_328, %add3A_395 : i32
      %get3A_397 = arith.index_cast %add3A_396 : i32 to index
      %get3A_398 = tpu.vector_load %arg6[%get3A_397] {strides = array<i32>} : memref<6272xf32, #tpu.memory_space<vmem>>, vector<16xf32>,
      %add3A_399 = arith.constant 0 : i32
      %add3A_400 = vector.broadcast %add3A_399 : i32 to vector<16xi32>
      %add3A_401 = arith.addi %get3A_351, %add3A_400 : vector<16xi32>
      tpu.vector_store_idx %arg9[%add3A_401], %get3A_398 {add = true} : memref<1024xf32, #tpu.memory_space<vmem>>[vector<16xi32>], vector<16xf32>,
      %add3A_402 = arith.constant 96 : i32
      %add3A_403 = arith.addi %mul3A_328, %add3A_402 : i32
      %get3A_404 = arith.index_cast %add3A_403 : i32 to index
      %get3A_405 = tpu.vector_load %arg6[%get3A_404] {strides = array<i32>} : memref<6272xf32, #tpu.memory_space<vmem>>, vector<16xf32>,
      %add3A_406 = arith.constant 0 : i32
      %add3A_407 = vector.broadcast %add3A_406 : i32 to vector<16xi32>
      %add3A_408 = arith.addi %get3A_355, %add3A_407 : vector<16xi32>
      tpu.vector_store_idx %arg9[%add3A_408], %get3A_405 {add = true} : memref<1024xf32, #tpu.memory_space<vmem>>[vector<16xi32>], vector<16xf32>,
      %add3A_409 = arith.constant 112 : i32
      %add3A_410 = arith.addi %mul3A_328, %add3A_409 : i32
      %get3A_411 = arith.index_cast %add3A_410 : i32 to index
      %get3A_412 = tpu.vector_load %arg6[%get3A_411] {strides = array<i32>} : memref<6272xf32, #tpu.memory_space<vmem>>, vector<16xf32>,
      %add3A_413 = arith.constant 0 : i32
      %add3A_414 = vector.broadcast %add3A_413 : i32 to vector<16xi32>
      %add3A_415 = arith.addi %get3A_359, %add3A_414 : vector<16xi32>
      tpu.vector_store_idx %arg9[%add3A_415], %get3A_412 {add = true} : memref<1024xf32, #tpu.memory_space<vmem>>[vector<16xi32>], vector<16xf32>,
      %add3A_416 = arith.constant 0 : i32
      %add3A_417 = arith.addi %mul3A_328, %add3A_416 : i32
      %get3A_418 = arith.index_cast %add3A_417 : i32 to index
      %get3A_419 = tpu.vector_load %arg7[%get3A_418] {strides = array<i32>} : memref<6272xf32, #tpu.memory_space<vmem>>, vector<16xf32>,
      %add3A_420 = arith.constant 256 : i32
      %add3A_421 = vector.broadcast %add3A_420 : i32 to vector<16xi32>
      %add3A_422 = arith.addi %get3A_331, %add3A_421 : vector<16xi32>
      tpu.vector_store_idx %arg9[%add3A_422], %get3A_419 {add = true} : memref<1024xf32, #tpu.memory_space<vmem>>[vector<16xi32>], vector<16xf32>,
      %add3A_423 = arith.constant 16 : i32
      %add3A_424 = arith.addi %mul3A_328, %add3A_423 : i32
      %get3A_425 = arith.index_cast %add3A_424 : i32 to index
      %get3A_426 = tpu.vector_load %arg7[%get3A_425] {strides = array<i32>} : memref<6272xf32, #tpu.memory_space<vmem>>, vector<16xf32>,
      %add3A_427 = arith.constant 256 : i32
      %add3A_428 = vector.broadcast %add3A_427 : i32 to vector<16xi32>
      %add3A_429 = arith.addi %get3A_335, %add3A_428 : vector<16xi32>
      tpu.vector_store_idx %arg9[%add3A_429], %get3A_426 {add = true} : memref<1024xf32, #tpu.memory_space<vmem>>[vector<16xi32>], vector<16xf32>,
      %add3A_430 = arith.constant 32 : i32
      %add3A_431 = arith.addi %mul3A_328, %add3A_430 : i32
      %get3A_432 = arith.index_cast %add3A_431 : i32 to index
      %get3A_433 = tpu.vector_load %arg7[%get3A_432] {strides = array<i32>} : memref<6272xf32, #tpu.memory_space<vmem>>, vector<16xf32>,
      %add3A_434 = arith.constant 256 : i32
      %add3A_435 = vector.broadcast %add3A_434 : i32 to vector<16xi32>
      %add3A_436 = arith.addi %get3A_339, %add3A_435 : vector<16xi32>
      tpu.vector_store_idx %arg9[%add3A_436], %get3A_433 {add = true} : memref<1024xf32, #tpu.memory_space<vmem>>[vector<16xi32>], vector<16xf32>,
      %add3A_437 = arith.constant 48 : i32
      %add3A_438 = arith.addi %mul3A_328, %add3A_437 : i32
      %get3A_439 = arith.index_cast %add3A_438 : i32 to index
      %get3A_440 = tpu.vector_load %arg7[%get3A_439] {strides = array<i32>} : memref<6272xf32, #tpu.memory_space<vmem>>, vector<16xf32>,
      %add3A_441 = arith.constant 256 : i32
      %add3A_442 = vector.broadcast %add3A_441 : i32 to vector<16xi32>
      %add3A_443 = arith.addi %get3A_343, %add3A_442 : vector<16xi32>
      tpu.vector_store_idx %arg9[%add3A_443], %get3A_440 {add = true} : memref<1024xf32, #tpu.memory_space<vmem>>[vector<16xi32>], vector<16xf32>,
      %add3A_444 = arith.constant 64 : i32
      %add3A_445 = arith.addi %mul3A_328, %add3A_444 : i32
      %get3A_446 = arith.index_cast %add3A_445 : i32 to index
      %get3A_447 = tpu.vector_load %arg7[%get3A_446] {strides = array<i32>} : memref<6272xf32, #tpu.memory_space<vmem>>, vector<16xf32>,
      %add3A_448 = arith.constant 256 : i32
      %add3A_449 = vector.broadcast %add3A_448 : i32 to vector<16xi32>
      %add3A_450 = arith.addi %get3A_347, %add3A_449 : vector<16xi32>
      tpu.vector_store_idx %arg9[%add3A_450], %get3A_447 {add = true} : memref<1024xf32, #tpu.memory_space<vmem>>[vector<16xi32>], vector<16xf32>,
      %add3A_451 = arith.constant 80 : i32
      %add3A_452 = arith.addi %mul3A_328, %add3A_451 : i32
      %get3A_453 = arith.index_cast %add3A_452 : i32 to index
      %get3A_454 = tpu.vector_load %arg7[%get3A_453] {strides = array<i32>} : memref<6272xf32, #tpu.memory_space<vmem>>, vector<16xf32>,
      %add3A_455 = arith.constant 256 : i32
      %add3A_456 = vector.broadcast %add3A_455 : i32 to vector<16xi32>
      %add3A_457 = arith.addi %get3A_351, %add3A_456 : vector<16xi32>
      tpu.vector_store_idx %arg9[%add3A_457], %get3A_454 {add = true} : memref<1024xf32, #tpu.memory_space<vmem>>[vector<16xi32>], vector<16xf32>,
      %add3A_458 = arith.constant 96 : i32
      %add3A_459 = arith.addi %mul3A_328, %add3A_458 : i32
      %get3A_460 = arith.index_cast %add3A_459 : i32 to index
      %get3A_461 = tpu.vector_load %arg7[%get3A_460] {strides = array<i32>} : memref<6272xf32, #tpu.memory_space<vmem>>, vector<16xf32>,
      %add3A_462 = arith.constant 256 : i32
      %add3A_463 = vector.broadcast %add3A_462 : i32 to vector<16xi32>
      %add3A_464 = arith.addi %get3A_355, %add3A_463 : vector<16xi32>
      tpu.vector_store_idx %arg9[%add3A_464], %get3A_461 {add = true} : memref<1024xf32, #tpu.memory_space<vmem>>[vector<16xi32>], vector<16xf32>,
      %add3A_465 = arith.constant 112 : i32
      %add3A_466 = arith.addi %mul3A_328, %add3A_465 : i32
      %get3A_467 = arith.index_cast %add3A_466 : i32 to index
      %get3A_468 = tpu.vector_load %arg7[%get3A_467] {strides = array<i32>} : memref<6272xf32, #tpu.memory_space<vmem>>, vector<16xf32>,
      %add3A_469 = arith.constant 256 : i32
      %add3A_470 = vector.broadcast %add3A_469 : i32 to vector<16xi32>
      %add3A_471 = arith.addi %get3A_359, %add3A_470 : vector<16xi32>
      tpu.vector_store_idx %arg9[%add3A_471], %get3A_468 {add = true} : memref<1024xf32, #tpu.memory_space<vmem>>[vector<16xi32>], vector<16xf32>,
      %add3A_472 = arith.constant 0 : i32
      %add3A_473 = arith.addi %mul3A_328, %add3A_472 : i32
      %get3A_474 = arith.index_cast %add3A_473 : i32 to index
      %get3A_475 = tpu.vector_load %arg8[%get3A_474] {strides = array<i32>} : memref<6272xf32, #tpu.memory_space<vmem>>, vector<16xf32>,
      %add3A_476 = arith.constant 512 : i32
      %add3A_477 = vector.broadcast %add3A_476 : i32 to vector<16xi32>
      %add3A_478 = arith.addi %get3A_331, %add3A_477 : vector<16xi32>
      tpu.vector_store_idx %arg9[%add3A_478], %get3A_475 {add = true} : memref<1024xf32, #tpu.memory_space<vmem>>[vector<16xi32>], vector<16xf32>,
      %add3A_479 = arith.constant 16 : i32
      %add3A_480 = arith.addi %mul3A_328, %add3A_479 : i32
      %get3A_481 = arith.index_cast %add3A_480 : i32 to index
      %get3A_482 = tpu.vector_load %arg8[%get3A_481] {strides = array<i32>} : memref<6272xf32, #tpu.memory_space<vmem>>, vector<16xf32>,
      %add3A_483 = arith.constant 512 : i32
      %add3A_484 = vector.broadcast %add3A_483 : i32 to vector<16xi32>
      %add3A_485 = arith.addi %get3A_335, %add3A_484 : vector<16xi32>
      tpu.vector_store_idx %arg9[%add3A_485], %get3A_482 {add = true} : memref<1024xf32, #tpu.memory_space<vmem>>[vector<16xi32>], vector<16xf32>,
      %add3A_486 = arith.constant 32 : i32
      %add3A_487 = arith.addi %mul3A_328, %add3A_486 : i32
      %get3A_488 = arith.index_cast %add3A_487 : i32 to index
      %get3A_489 = tpu.vector_load %arg8[%get3A_488] {strides = array<i32>} : memref<6272xf32, #tpu.memory_space<vmem>>, vector<16xf32>,
      %add3A_490 = arith.constant 512 : i32
      %add3A_491 = vector.broadcast %add3A_490 : i32 to vector<16xi32>
      %add3A_492 = arith.addi %get3A_339, %add3A_491 : vector<16xi32>
      tpu.vector_store_idx %arg9[%add3A_492], %get3A_489 {add = true} : memref<1024xf32, #tpu.memory_space<vmem>>[vector<16xi32>], vector<16xf32>,
      %add3A_493 = arith.constant 48 : i32
      %add3A_494 = arith.addi %mul3A_328, %add3A_493 : i32
      %get3A_495 = arith.index_cast %add3A_494 : i32 to index
      %get3A_496 = tpu.vector_load %arg8[%get3A_495] {strides = array<i32>} : memref<6272xf32, #tpu.memory_space<vmem>>, vector<16xf32>,
      %add3A_497 = arith.constant 512 : i32
      %add3A_498 = vector.broadcast %add3A_497 : i32 to vector<16xi32>
      %add3A_499 = arith.addi %get3A_343, %add3A_498 : vector<16xi32>
      tpu.vector_store_idx %arg9[%add3A_499], %get3A_496 {add = true} : memref<1024xf32, #tpu.memory_space<vmem>>[vector<16xi32>], vector<16xf32>,
      %add3A_500 = arith.constant 64 : i32
      %add3A_501 = arith.addi %mul3A_328, %add3A_500 : i32
      %get3A_502 = arith.index_cast %add3A_501 : i32 to index
      %get3A_503 = tpu.vector_load %arg8[%get3A_502] {strides = array<i32>} : memref<6272xf32, #tpu.memory_space<vmem>>, vector<16xf32>,
      %add3A_504 = arith.constant 512 : i32
      %add3A_505 = vector.broadcast %add3A_504 : i32 to vector<16xi32>
      %add3A_506 = arith.addi %get3A_347, %add3A_505 : vector<16xi32>
      tpu.vector_store_idx %arg9[%add3A_506], %get3A_503 {add = true} : memref<1024xf32, #tpu.memory_space<vmem>>[vector<16xi32>], vector<16xf32>,
      %add3A_507 = arith.constant 80 : i32
      %add3A_508 = arith.addi %mul3A_328, %add3A_507 : i32
      %get3A_509 = arith.index_cast %add3A_508 : i32 to index
      %get3A_510 = tpu.vector_load %arg8[%get3A_509] {strides = array<i32>} : memref<6272xf32, #tpu.memory_space<vmem>>, vector<16xf32>,
      %add3A_511 = arith.constant 512 : i32
      %add3A_512 = vector.broadcast %add3A_511 : i32 to vector<16xi32>
      %add3A_513 = arith.addi %get3A_351, %add3A_512 : vector<16xi32>
      tpu.vector_store_idx %arg9[%add3A_513], %get3A_510 {add = true} : memref<1024xf32, #tpu.memory_space<vmem>>[vector<16xi32>], vector<16xf32>,
      %add3A_514 = arith.constant 96 : i32
      %add3A_515 = arith.addi %mul3A_328, %add3A_514 : i32
      %get3A_516 = arith.index_cast %add3A_515 : i32 to index
      %get3A_517 = tpu.vector_load %arg8[%get3A_516] {strides = array<i32>} : memref<6272xf32, #tpu.memory_space<vmem>>, vector<16xf32>,
      %add3A_518 = arith.constant 512 : i32
      %add3A_519 = vector.broadcast %add3A_518 : i32 to vector<16xi32>
      %add3A_520 = arith.addi %get3A_355, %add3A_519 : vector<16xi32>
      tpu.vector_store_idx %arg9[%add3A_520], %get3A_517 {add = true} : memref<1024xf32, #tpu.memory_space<vmem>>[vector<16xi32>], vector<16xf32>,
      %add3A_521 = arith.constant 112 : i32
      %add3A_522 = arith.addi %mul3A_328, %add3A_521 : i32
      %get3A_523 = arith.index_cast %add3A_522 : i32 to index
      %get3A_524 = tpu.vector_load %arg8[%get3A_523] {strides = array<i32>} : memref<6272xf32, #tpu.memory_space<vmem>>, vector<16xf32>,
      %add3A_525 = arith.constant 512 : i32
      %add3A_526 = vector.broadcast %add3A_525 : i32 to vector<16xi32>
      %add3A_527 = arith.addi %get3A_359, %add3A_526 : vector<16xi32>
      tpu.vector_store_idx %arg9[%add3A_527], %get3A_524 {add = true} : memref<1024xf32, #tpu.memory_space<vmem>>[vector<16xi32>], vector<16xf32>,
      %add3A_528 = arith.constant 0 : i32
      %add3A_529 = arith.addi %mul3A_328, %add3A_528 : i32
      %add3A_530 = arith.constant 768 : i32
      %add3A_531 = vector.broadcast %add3A_530 : i32 to vector<16xi32>
      %add3A_532 = arith.addi %get3A_331, %add3A_531 : vector<16xi32>
      tpu.vector_store_idx %arg9[%add3A_532], %broadcast_in_dim3A_265 {add = true} : memref<1024xf32, #tpu.memory_space<vmem>>[vector<16xi32>], vector<16xf32>,
      %add3A_533 = arith.constant 16 : i32
      %add3A_534 = arith.addi %mul3A_328, %add3A_533 : i32
      %add3A_535 = arith.constant 768 : i32
      %add3A_536 = vector.broadcast %add3A_535 : i32 to vector<16xi32>
      %add3A_537 = arith.addi %get3A_335, %add3A_536 : vector<16xi32>
      tpu.vector_store_idx %arg9[%add3A_537], %broadcast_in_dim3A_265 {add = true} : memref<1024xf32, #tpu.memory_space<vmem>>[vector<16xi32>], vector<16xf32>,
      %add3A_538 = arith.constant 32 : i32
      %add3A_539 = arith.addi %mul3A_328, %add3A_538 : i32
      %add3A_540 = arith.constant 768 : i32
      %add3A_541 = vector.broadcast %add3A_540 : i32 to vector<16xi32>
      %add3A_542 = arith.addi %get3A_339, %add3A_541 : vector<16xi32>
      tpu.vector_store_idx %arg9[%add3A_542], %broadcast_in_dim3A_265 {add = true} : memref<1024xf32, #tpu.memory_space<vmem>>[vector<16xi32>], vector<16xf32>,
      %add3A_543 = arith.constant 48 : i32
      %add3A_544 = arith.addi %mul3A_328, %add3A_543 : i32
      %add3A_545 = arith.constant 768 : i32
      %add3A_546 = vector.broadcast %add3A_545 : i32 to vector<16xi32>
      %add3A_547 = arith.addi %get3A_343, %add3A_546 : vector<16xi32>
      tpu.vector_store_idx %arg9[%add3A_547], %broadcast_in_dim3A_265 {add = true} : memref<1024xf32, #tpu.memory_space<vmem>>[vector<16xi32>], vector<16xf32>,
      %add3A_548 = arith.constant 64 : i32
      %add3A_549 = arith.addi %mul3A_328, %add3A_548 : i32
      %add3A_550 = arith.constant 768 : i32
      %add3A_551 = vector.broadcast %add3A_550 : i32 to vector<16xi32>
      %add3A_552 = arith.addi %get3A_347, %add3A_551 : vector<16xi32>
      tpu.vector_store_idx %arg9[%add3A_552], %broadcast_in_dim3A_265 {add = true} : memref<1024xf32, #tpu.memory_space<vmem>>[vector<16xi32>], vector<16xf32>,
      %add3A_553 = arith.constant 80 : i32
      %add3A_554 = arith.addi %mul3A_328, %add3A_553 : i32
      %add3A_555 = arith.constant 768 : i32
      %add3A_556 = vector.broadcast %add3A_555 : i32 to vector<16xi32>
      %add3A_557 = arith.addi %get3A_351, %add3A_556 : vector<16xi32>
      tpu.vector_store_idx %arg9[%add3A_557], %broadcast_in_dim3A_265 {add = true} : memref<1024xf32, #tpu.memory_space<vmem>>[vector<16xi32>], vector<16xf32>,
      %add3A_558 = arith.constant 96 : i32
      %add3A_559 = arith.addi %mul3A_328, %add3A_558 : i32
      %add3A_560 = arith.constant 768 : i32
      %add3A_561 = vector.broadcast %add3A_560 : i32 to vector<16xi32>
      %add3A_562 = arith.addi %get3A_355, %add3A_561 : vector<16xi32>
      tpu.vector_store_idx %arg9[%add3A_562], %broadcast_in_dim3A_265 {add = true} : memref<1024xf32, #tpu.memory_space<vmem>>[vector<16xi32>], vector<16xf32>,
      %add3A_563 = arith.constant 112 : i32
      %add3A_564 = arith.addi %mul3A_328, %add3A_563 : i32
      %add3A_565 = arith.constant 768 : i32
      %add3A_566 = vector.broadcast %add3A_565 : i32 to vector<16xi32>
      %add3A_567 = arith.addi %get3A_359, %add3A_566 : vector<16xi32>
      tpu.vector_store_idx %arg9[%add3A_567], %broadcast_in_dim3A_265 {add = true} : memref<1024xf32, #tpu.memory_space<vmem>>[vector<16xi32>], vector<16xf32>,
    }
    %scan3A_293 = arith.constant 24 : i32
    %dma_wait3A_294 = arith.constant 3136 : i32
    %dma_wait3A_295 = tpu.memref_slice %arg5[%dma_wait3A_294] : memref<6272xi32, #tpu.memory_space<vmem>> -> memref<3136xi32, #tpu.memory_space<vmem>>
    %dma_wait3A_296 = tpu.memref_slice %arg3[%add3A_84] : memref<200704xi32, #tpu.memory_space<hbm>> -> memref<3136xi32, #tpu.memory_space<hbm>>
    %dma_wait3A_297 = arith.constant 3136 : i32
    %dma_wait3A_298 = tpu.memref_slice %arg5[%dma_wait3A_297] : memref<6272xi32, #tpu.memory_space<vmem>> -> memref<3136xi32, #tpu.memory_space<vmem>>
    %dma_wait3A_299 = tpu.memref_slice %arg3[%add3A_84] : memref<200704xi32, #tpu.memory_space<hbm>> -> memref<3136xi32, #tpu.memory_space<hbm>>
    tpu.wait_dma2 semaphore(%arg11 : memref<!tpu.dma_semaphore, #tpu.memory_space<semaphore_mem>>) src(%dma_wait3A_299 : memref<3136xi32, #tpu.memory_space<hbm>>) dst(%dma_wait3A_298 : memref<3136xi32, #tpu.memory_space<vmem>>)
    %dma_wait3A_300 = arith.constant 3136 : i32
    %dma_wait3A_301 = tpu.memref_slice %arg6[%dma_wait3A_300] : memref<6272xf32, #tpu.memory_space<vmem>> -> memref<3136xf32, #tpu.memory_space<vmem>>
    %dma_wait3A_302 = tpu.memref_slice %arg2[%add3A_99] : memref<602112xf32, #tpu.memory_space<hbm>> -> memref<3136xf32, #tpu.memory_space<hbm>>
    %dma_wait3A_303 = arith.constant 3136 : i32
    %dma_wait3A_304 = tpu.memref_slice %arg6[%dma_wait3A_303] : memref<6272xf32, #tpu.memory_space<vmem>> -> memref<3136xf32, #tpu.memory_space<vmem>>
    %dma_wait3A_305 = tpu.memref_slice %arg2[%add3A_99] : memref<602112xf32, #tpu.memory_space<hbm>> -> memref<3136xf32, #tpu.memory_space<hbm>>
    tpu.wait_dma2 semaphore(%arg11 : memref<!tpu.dma_semaphore, #tpu.memory_space<semaphore_mem>>) src(%dma_wait3A_305 : memref<3136xf32, #tpu.memory_space<hbm>>) dst(%dma_wait3A_304 : memref<3136xf32, #tpu.memory_space<vmem>>)
    %dma_wait3A_306 = arith.constant 3136 : i32
    %dma_wait3A_307 = tpu.memref_slice %arg7[%dma_wait3A_306] : memref<6272xf32, #tpu.memory_space<vmem>> -> memref<3136xf32, #tpu.memory_space<vmem>>
    %dma_wait3A_308 = tpu.memref_slice %arg2[%add3A_114] : memref<602112xf32, #tpu.memory_space<hbm>> -> memref<3136xf32, #tpu.memory_space<hbm>>
    %dma_wait3A_309 = arith.constant 3136 : i32
    %dma_wait3A_310 = tpu.memref_slice %arg7[%dma_wait3A_309] : memref<6272xf32, #tpu.memory_space<vmem>> -> memref<3136xf32, #tpu.memory_space<vmem>>
    %dma_wait3A_311 = tpu.memref_slice %arg2[%add3A_114] : memref<602112xf32, #tpu.memory_space<hbm>> -> memref<3136xf32, #tpu.memory_space<hbm>>
    tpu.wait_dma2 semaphore(%arg11 : memref<!tpu.dma_semaphore, #tpu.memory_space<semaphore_mem>>) src(%dma_wait3A_311 : memref<3136xf32, #tpu.memory_space<hbm>>) dst(%dma_wait3A_310 : memref<3136xf32, #tpu.memory_space<vmem>>)
    %dma_wait3A_312 = arith.constant 3136 : i32
    %dma_wait3A_313 = tpu.memref_slice %arg8[%dma_wait3A_312] : memref<6272xf32, #tpu.memory_space<vmem>> -> memref<3136xf32, #tpu.memory_space<vmem>>
    %dma_wait3A_314 = tpu.memref_slice %arg2[%add3A_129] : memref<602112xf32, #tpu.memory_space<hbm>> -> memref<3136xf32, #tpu.memory_space<hbm>>
    %dma_wait3A_315 = arith.constant 3136 : i32
    %dma_wait3A_316 = tpu.memref_slice %arg8[%dma_wait3A_315] : memref<6272xf32, #tpu.memory_space<vmem>> -> memref<3136xf32, #tpu.memory_space<vmem>>
    %dma_wait3A_317 = tpu.memref_slice %arg2[%add3A_129] : memref<602112xf32, #tpu.memory_space<hbm>> -> memref<3136xf32, #tpu.memory_space<hbm>>
    tpu.wait_dma2 semaphore(%arg11 : memref<!tpu.dma_semaphore, #tpu.memory_space<semaphore_mem>>) src(%dma_wait3A_317 : memref<3136xf32, #tpu.memory_space<hbm>>) dst(%dma_wait3A_316 : memref<3136xf32, #tpu.memory_space<vmem>>)
    %scan3A_318 = arith.constant 0 : i32
    %scan3A_319 = arith.constant 24 : i32
    %scan3A_320 = arith.constant 25 : i32
    %scan3A_321 = arith.addi %scan3A_319, %scan3A_320 : i32
    %scan3A_322 = arith.constant 1 : i32
    scf.for %scan3A_326 = %scan3A_319 to %scan3A_321 step %scan3A_322  : i32 {
      %mul3A_327 = arith.constant 128 : i32
      %mul3A_328 = arith.muli %scan3A_326, %mul3A_327 : i32
      %add3A_329 = arith.constant 0 : i32
      %add3A_330 = arith.addi %mul3A_328, %add3A_329 : i32
      %get3A = arith.index_cast %add3A_330 : i32 to index
      %get3A_331 = tpu.vector_load %arg5[%get3A] {strides = array<i32>} : memref<6272xi32, #tpu.memory_space<vmem>>, vector<16xi32>,
      %add3A_332 = arith.constant 16 : i32
      %add3A_333 = arith.addi %mul3A_328, %add3A_332 : i32
      %get3A_334 = arith.index_cast %add3A_333 : i32 to index
      %get3A_335 = tpu.vector_load %arg5[%get3A_334] {strides = array<i32>} : memref<6272xi32, #tpu.memory_space<vmem>>, vector<16xi32>,
      %add3A_336 = arith.constant 32 : i32
      %add3A_337 = arith.addi %mul3A_328, %add3A_336 : i32
      %get3A_338 = arith.index_cast %add3A_337 : i32 to index
      %get3A_339 = tpu.vector_load %arg5[%get3A_338] {strides = array<i32>} : memref<6272xi32, #tpu.memory_space<vmem>>, vector<16xi32>,
      %add3A_340 = arith.constant 48 : i32
      %add3A_341 = arith.addi %mul3A_328, %add3A_340 : i32
      %get3A_342 = arith.index_cast %add3A_341 : i32 to index
      %get3A_343 = tpu.vector_load %arg5[%get3A_342] {strides = array<i32>} : memref<6272xi32, #tpu.memory_space<vmem>>, vector<16xi32>,
      %add3A_344 = arith.constant 64 : i32
      %add3A_345 = arith.addi %mul3A_328, %add3A_344 : i32
      %get3A_346 = arith.index_cast %add3A_345 : i32 to index
      %get3A_347 = tpu.vector_load %arg5[%get3A_346] {strides = array<i32>} : memref<6272xi32, #tpu.memory_space<vmem>>, vector<16xi32>,
      %add3A_348 = arith.constant 80 : i32
      %add3A_349 = arith.addi %mul3A_328, %add3A_348 : i32
      %get3A_350 = arith.index_cast %add3A_349 : i32 to index
      %get3A_351 = tpu.vector_load %arg5[%get3A_350] {strides = array<i32>} : memref<6272xi32, #tpu.memory_space<vmem>>, vector<16xi32>,
      %add3A_352 = arith.constant 96 : i32
      %add3A_353 = arith.addi %mul3A_328, %add3A_352 : i32
      %get3A_354 = arith.index_cast %add3A_353 : i32 to index
      %get3A_355 = tpu.vector_load %arg5[%get3A_354] {strides = array<i32>} : memref<6272xi32, #tpu.memory_space<vmem>>, vector<16xi32>,
      %add3A_356 = arith.constant 112 : i32
      %add3A_357 = arith.addi %mul3A_328, %add3A_356 : i32
      %get3A_358 = arith.index_cast %add3A_357 : i32 to index
      %get3A_359 = tpu.vector_load %arg5[%get3A_358] {strides = array<i32>} : memref<6272xi32, #tpu.memory_space<vmem>>, vector<16xi32>,
      %add3A_360 = arith.constant 0 : i32
      %add3A_361 = arith.addi %mul3A_328, %add3A_360 : i32
      %get3A_362 = arith.index_cast %add3A_361 : i32 to index
      %get3A_363 = tpu.vector_load %arg6[%get3A_362] {strides = array<i32>} : memref<6272xf32, #tpu.memory_space<vmem>>, vector<16xf32>,
      %add3A_364 = arith.constant 0 : i32
      %add3A_365 = vector.broadcast %add3A_364 : i32 to vector<16xi32>
      %add3A_366 = arith.addi %get3A_331, %add3A_365 : vector<16xi32>
      tpu.vector_store_idx %arg9[%add3A_366], %get3A_363 {add = true} : memref<1024xf32, #tpu.memory_space<vmem>>[vector<16xi32>], vector<16xf32>,
      %add3A_367 = arith.constant 16 : i32
      %add3A_368 = arith.addi %mul3A_328, %add3A_367 : i32
      %get3A_369 = arith.index_cast %add3A_368 : i32 to index
      %get3A_370 = tpu.vector_load %arg6[%get3A_369] {strides = array<i32>} : memref<6272xf32, #tpu.memory_space<vmem>>, vector<16xf32>,
      %add3A_371 = arith.constant 0 : i32
      %add3A_372 = vector.broadcast %add3A_371 : i32 to vector<16xi32>
      %add3A_373 = arith.addi %get3A_335, %add3A_372 : vector<16xi32>
      tpu.vector_store_idx %arg9[%add3A_373], %get3A_370 {add = true} : memref<1024xf32, #tpu.memory_space<vmem>>[vector<16xi32>], vector<16xf32>,
      %add3A_374 = arith.constant 32 : i32
      %add3A_375 = arith.addi %mul3A_328, %add3A_374 : i32
      %get3A_376 = arith.index_cast %add3A_375 : i32 to index
      %get3A_377 = tpu.vector_load %arg6[%get3A_376] {strides = array<i32>} : memref<6272xf32, #tpu.memory_space<vmem>>, vector<16xf32>,
      %add3A_378 = arith.constant 0 : i32
      %add3A_379 = vector.broadcast %add3A_378 : i32 to vector<16xi32>
      %add3A_380 = arith.addi %get3A_339, %add3A_379 : vector<16xi32>
      tpu.vector_store_idx %arg9[%add3A_380], %get3A_377 {add = true} : memref<1024xf32, #tpu.memory_space<vmem>>[vector<16xi32>], vector<16xf32>,
      %add3A_381 = arith.constant 48 : i32
      %add3A_382 = arith.addi %mul3A_328, %add3A_381 : i32
      %get3A_383 = arith.index_cast %add3A_382 : i32 to index
      %get3A_384 = tpu.vector_load %arg6[%get3A_383] {strides = array<i32>} : memref<6272xf32, #tpu.memory_space<vmem>>, vector<16xf32>,
      %add3A_385 = arith.constant 0 : i32
      %add3A_386 = vector.broadcast %add3A_385 : i32 to vector<16xi32>
      %add3A_387 = arith.addi %get3A_343, %add3A_386 : vector<16xi32>
      tpu.vector_store_idx %arg9[%add3A_387], %get3A_384 {add = true} : memref<1024xf32, #tpu.memory_space<vmem>>[vector<16xi32>], vector<16xf32>,
      %add3A_388 = arith.constant 64 : i32
      %add3A_389 = arith.addi %mul3A_328, %add3A_388 : i32
      %get3A_390 = arith.index_cast %add3A_389 : i32 to index
      %get3A_391 = tpu.vector_load %arg6[%get3A_390] {strides = array<i32>} : memref<6272xf32, #tpu.memory_space<vmem>>, vector<16xf32>,
      %add3A_392 = arith.constant 0 : i32
      %add3A_393 = vector.broadcast %add3A_392 : i32 to vector<16xi32>
      %add3A_394 = arith.addi %get3A_347, %add3A_393 : vector<16xi32>
      tpu.vector_store_idx %arg9[%add3A_394], %get3A_391 {add = true} : memref<1024xf32, #tpu.memory_space<vmem>>[vector<16xi32>], vector<16xf32>,
      %add3A_395 = arith.constant 80 : i32
      %add3A_396 = arith.addi %mul3A_328, %add3A_395 : i32
      %get3A_397 = arith.index_cast %add3A_396 : i32 to index
      %get3A_398 = tpu.vector_load %arg6[%get3A_397] {strides = array<i32>} : memref<6272xf32, #tpu.memory_space<vmem>>, vector<16xf32>,
      %add3A_399 = arith.constant 0 : i32
      %add3A_400 = vector.broadcast %add3A_399 : i32 to vector<16xi32>
      %add3A_401 = arith.addi %get3A_351, %add3A_400 : vector<16xi32>
      tpu.vector_store_idx %arg9[%add3A_401], %get3A_398 {add = true} : memref<1024xf32, #tpu.memory_space<vmem>>[vector<16xi32>], vector<16xf32>,
      %add3A_402 = arith.constant 96 : i32
      %add3A_403 = arith.addi %mul3A_328, %add3A_402 : i32
      %get3A_404 = arith.index_cast %add3A_403 : i32 to index
      %get3A_405 = tpu.vector_load %arg6[%get3A_404] {strides = array<i32>} : memref<6272xf32, #tpu.memory_space<vmem>>, vector<16xf32>,
      %add3A_406 = arith.constant 0 : i32
      %add3A_407 = vector.broadcast %add3A_406 : i32 to vector<16xi32>
      %add3A_408 = arith.addi %get3A_355, %add3A_407 : vector<16xi32>
      tpu.vector_store_idx %arg9[%add3A_408], %get3A_405 {add = true} : memref<1024xf32, #tpu.memory_space<vmem>>[vector<16xi32>], vector<16xf32>,
      %add3A_409 = arith.constant 112 : i32
      %add3A_410 = arith.addi %mul3A_328, %add3A_409 : i32
      %get3A_411 = arith.index_cast %add3A_410 : i32 to index
      %get3A_412 = tpu.vector_load %arg6[%get3A_411] {strides = array<i32>} : memref<6272xf32, #tpu.memory_space<vmem>>, vector<16xf32>,
      %add3A_413 = arith.constant 0 : i32
      %add3A_414 = vector.broadcast %add3A_413 : i32 to vector<16xi32>
      %add3A_415 = arith.addi %get3A_359, %add3A_414 : vector<16xi32>
      tpu.vector_store_idx %arg9[%add3A_415], %get3A_412 {add = true} : memref<1024xf32, #tpu.memory_space<vmem>>[vector<16xi32>], vector<16xf32>,
      %add3A_416 = arith.constant 0 : i32
      %add3A_417 = arith.addi %mul3A_328, %add3A_416 : i32
      %get3A_418 = arith.index_cast %add3A_417 : i32 to index
      %get3A_419 = tpu.vector_load %arg7[%get3A_418] {strides = array<i32>} : memref<6272xf32, #tpu.memory_space<vmem>>, vector<16xf32>,
      %add3A_420 = arith.constant 256 : i32
      %add3A_421 = vector.broadcast %add3A_420 : i32 to vector<16xi32>
      %add3A_422 = arith.addi %get3A_331, %add3A_421 : vector<16xi32>
      tpu.vector_store_idx %arg9[%add3A_422], %get3A_419 {add = true} : memref<1024xf32, #tpu.memory_space<vmem>>[vector<16xi32>], vector<16xf32>,
      %add3A_423 = arith.constant 16 : i32
      %add3A_424 = arith.addi %mul3A_328, %add3A_423 : i32
      %get3A_425 = arith.index_cast %add3A_424 : i32 to index
      %get3A_426 = tpu.vector_load %arg7[%get3A_425] {strides = array<i32>} : memref<6272xf32, #tpu.memory_space<vmem>>, vector<16xf32>,
      %add3A_427 = arith.constant 256 : i32
      %add3A_428 = vector.broadcast %add3A_427 : i32 to vector<16xi32>
      %add3A_429 = arith.addi %get3A_335, %add3A_428 : vector<16xi32>
      tpu.vector_store_idx %arg9[%add3A_429], %get3A_426 {add = true} : memref<1024xf32, #tpu.memory_space<vmem>>[vector<16xi32>], vector<16xf32>,
      %add3A_430 = arith.constant 32 : i32
      %add3A_431 = arith.addi %mul3A_328, %add3A_430 : i32
      %get3A_432 = arith.index_cast %add3A_431 : i32 to index
      %get3A_433 = tpu.vector_load %arg7[%get3A_432] {strides = array<i32>} : memref<6272xf32, #tpu.memory_space<vmem>>, vector<16xf32>,
      %add3A_434 = arith.constant 256 : i32
      %add3A_435 = vector.broadcast %add3A_434 : i32 to vector<16xi32>
      %add3A_436 = arith.addi %get3A_339, %add3A_435 : vector<16xi32>
      tpu.vector_store_idx %arg9[%add3A_436], %get3A_433 {add = true} : memref<1024xf32, #tpu.memory_space<vmem>>[vector<16xi32>], vector<16xf32>,
      %add3A_437 = arith.constant 48 : i32
      %add3A_438 = arith.addi %mul3A_328, %add3A_437 : i32
      %get3A_439 = arith.index_cast %add3A_438 : i32 to index
      %get3A_440 = tpu.vector_load %arg7[%get3A_439] {strides = array<i32>} : memref<6272xf32, #tpu.memory_space<vmem>>, vector<16xf32>,
      %add3A_441 = arith.constant 256 : i32
      %add3A_442 = vector.broadcast %add3A_441 : i32 to vector<16xi32>
      %add3A_443 = arith.addi %get3A_343, %add3A_442 : vector<16xi32>
      tpu.vector_store_idx %arg9[%add3A_443], %get3A_440 {add = true} : memref<1024xf32, #tpu.memory_space<vmem>>[vector<16xi32>], vector<16xf32>,
      %add3A_444 = arith.constant 64 : i32
      %add3A_445 = arith.addi %mul3A_328, %add3A_444 : i32
      %get3A_446 = arith.index_cast %add3A_445 : i32 to index
      %get3A_447 = tpu.vector_load %arg7[%get3A_446] {strides = array<i32>} : memref<6272xf32, #tpu.memory_space<vmem>>, vector<16xf32>,
      %add3A_448 = arith.constant 256 : i32
      %add3A_449 = vector.broadcast %add3A_448 : i32 to vector<16xi32>
      %add3A_450 = arith.addi %get3A_347, %add3A_449 : vector<16xi32>
      tpu.vector_store_idx %arg9[%add3A_450], %get3A_447 {add = true} : memref<1024xf32, #tpu.memory_space<vmem>>[vector<16xi32>], vector<16xf32>,
      %add3A_451 = arith.constant 80 : i32
      %add3A_452 = arith.addi %mul3A_328, %add3A_451 : i32
      %get3A_453 = arith.index_cast %add3A_452 : i32 to index
      %get3A_454 = tpu.vector_load %arg7[%get3A_453] {strides = array<i32>} : memref<6272xf32, #tpu.memory_space<vmem>>, vector<16xf32>,
      %add3A_455 = arith.constant 256 : i32
      %add3A_456 = vector.broadcast %add3A_455 : i32 to vector<16xi32>
      %add3A_457 = arith.addi %get3A_351, %add3A_456 : vector<16xi32>
      tpu.vector_store_idx %arg9[%add3A_457], %get3A_454 {add = true} : memref<1024xf32, #tpu.memory_space<vmem>>[vector<16xi32>], vector<16xf32>,
      %add3A_458 = arith.constant 96 : i32
      %add3A_459 = arith.addi %mul3A_328, %add3A_458 : i32
      %get3A_460 = arith.index_cast %add3A_459 : i32 to index
      %get3A_461 = tpu.vector_load %arg7[%get3A_460] {strides = array<i32>} : memref<6272xf32, #tpu.memory_space<vmem>>, vector<16xf32>,
      %add3A_462 = arith.constant 256 : i32
      %add3A_463 = vector.broadcast %add3A_462 : i32 to vector<16xi32>
      %add3A_464 = arith.addi %get3A_355, %add3A_463 : vector<16xi32>
      tpu.vector_store_idx %arg9[%add3A_464], %get3A_461 {add = true} : memref<1024xf32, #tpu.memory_space<vmem>>[vector<16xi32>], vector<16xf32>,
      %add3A_465 = arith.constant 112 : i32
      %add3A_466 = arith.addi %mul3A_328, %add3A_465 : i32
      %get3A_467 = arith.index_cast %add3A_466 : i32 to index
      %get3A_468 = tpu.vector_load %arg7[%get3A_467] {strides = array<i32>} : memref<6272xf32, #tpu.memory_space<vmem>>, vector<16xf32>,
      %add3A_469 = arith.constant 256 : i32
      %add3A_470 = vector.broadcast %add3A_469 : i32 to vector<16xi32>
      %add3A_471 = arith.addi %get3A_359, %add3A_470 : vector<16xi32>
      tpu.vector_store_idx %arg9[%add3A_471], %get3A_468 {add = true} : memref<1024xf32, #tpu.memory_space<vmem>>[vector<16xi32>], vector<16xf32>,
      %add3A_472 = arith.constant 0 : i32
      %add3A_473 = arith.addi %mul3A_328, %add3A_472 : i32
      %get3A_474 = arith.index_cast %add3A_473 : i32 to index
      %get3A_475 = tpu.vector_load %arg8[%get3A_474] {strides = array<i32>} : memref<6272xf32, #tpu.memory_space<vmem>>, vector<16xf32>,
      %add3A_476 = arith.constant 512 : i32
      %add3A_477 = vector.broadcast %add3A_476 : i32 to vector<16xi32>
      %add3A_478 = arith.addi %get3A_331, %add3A_477 : vector<16xi32>
      tpu.vector_store_idx %arg9[%add3A_478], %get3A_475 {add = true} : memref<1024xf32, #tpu.memory_space<vmem>>[vector<16xi32>], vector<16xf32>,
      %add3A_479 = arith.constant 16 : i32
      %add3A_480 = arith.addi %mul3A_328, %add3A_479 : i32
      %get3A_481 = arith.index_cast %add3A_480 : i32 to index
      %get3A_482 = tpu.vector_load %arg8[%get3A_481] {strides = array<i32>} : memref<6272xf32, #tpu.memory_space<vmem>>, vector<16xf32>,
      %add3A_483 = arith.constant 512 : i32
      %add3A_484 = vector.broadcast %add3A_483 : i32 to vector<16xi32>
      %add3A_485 = arith.addi %get3A_335, %add3A_484 : vector<16xi32>
      tpu.vector_store_idx %arg9[%add3A_485], %get3A_482 {add = true} : memref<1024xf32, #tpu.memory_space<vmem>>[vector<16xi32>], vector<16xf32>,
      %add3A_486 = arith.constant 32 : i32
      %add3A_487 = arith.addi %mul3A_328, %add3A_486 : i32
      %get3A_488 = arith.index_cast %add3A_487 : i32 to index
      %get3A_489 = tpu.vector_load %arg8[%get3A_488] {strides = array<i32>} : memref<6272xf32, #tpu.memory_space<vmem>>, vector<16xf32>,
      %add3A_490 = arith.constant 512 : i32
      %add3A_491 = vector.broadcast %add3A_490 : i32 to vector<16xi32>
      %add3A_492 = arith.addi %get3A_339, %add3A_491 : vector<16xi32>
      tpu.vector_store_idx %arg9[%add3A_492], %get3A_489 {add = true} : memref<1024xf32, #tpu.memory_space<vmem>>[vector<16xi32>], vector<16xf32>,
      %add3A_493 = arith.constant 48 : i32
      %add3A_494 = arith.addi %mul3A_328, %add3A_493 : i32
      %get3A_495 = arith.index_cast %add3A_494 : i32 to index
      %get3A_496 = tpu.vector_load %arg8[%get3A_495] {strides = array<i32>} : memref<6272xf32, #tpu.memory_space<vmem>>, vector<16xf32>,
      %add3A_497 = arith.constant 512 : i32
      %add3A_498 = vector.broadcast %add3A_497 : i32 to vector<16xi32>
      %add3A_499 = arith.addi %get3A_343, %add3A_498 : vector<16xi32>
      tpu.vector_store_idx %arg9[%add3A_499], %get3A_496 {add = true} : memref<1024xf32, #tpu.memory_space<vmem>>[vector<16xi32>], vector<16xf32>,
      %add3A_500 = arith.constant 64 : i32
      %add3A_501 = arith.addi %mul3A_328, %add3A_500 : i32
      %get3A_502 = arith.index_cast %add3A_501 : i32 to index
      %get3A_503 = tpu.vector_load %arg8[%get3A_502] {strides = array<i32>} : memref<6272xf32, #tpu.memory_space<vmem>>, vector<16xf32>,
      %add3A_504 = arith.constant 512 : i32
      %add3A_505 = vector.broadcast %add3A_504 : i32 to vector<16xi32>
      %add3A_506 = arith.addi %get3A_347, %add3A_505 : vector<16xi32>
      tpu.vector_store_idx %arg9[%add3A_506], %get3A_503 {add = true} : memref<1024xf32, #tpu.memory_space<vmem>>[vector<16xi32>], vector<16xf32>,
      %add3A_507 = arith.constant 80 : i32
      %add3A_508 = arith.addi %mul3A_328, %add3A_507 : i32
      %get3A_509 = arith.index_cast %add3A_508 : i32 to index
      %get3A_510 = tpu.vector_load %arg8[%get3A_509] {strides = array<i32>} : memref<6272xf32, #tpu.memory_space<vmem>>, vector<16xf32>,
      %add3A_511 = arith.constant 512 : i32
      %add3A_512 = vector.broadcast %add3A_511 : i32 to vector<16xi32>
      %add3A_513 = arith.addi %get3A_351, %add3A_512 : vector<16xi32>
      tpu.vector_store_idx %arg9[%add3A_513], %get3A_510 {add = true} : memref<1024xf32, #tpu.memory_space<vmem>>[vector<16xi32>], vector<16xf32>,
      %add3A_514 = arith.constant 96 : i32
      %add3A_515 = arith.addi %mul3A_328, %add3A_514 : i32
      %get3A_516 = arith.index_cast %add3A_515 : i32 to index
      %get3A_517 = tpu.vector_load %arg8[%get3A_516] {strides = array<i32>} : memref<6272xf32, #tpu.memory_space<vmem>>, vector<16xf32>,
      %add3A_518 = arith.constant 512 : i32
      %add3A_519 = vector.broadcast %add3A_518 : i32 to vector<16xi32>
      %add3A_520 = arith.addi %get3A_355, %add3A_519 : vector<16xi32>
      tpu.vector_store_idx %arg9[%add3A_520], %get3A_517 {add = true} : memref<1024xf32, #tpu.memory_space<vmem>>[vector<16xi32>], vector<16xf32>,
      %add3A_521 = arith.constant 112 : i32
      %add3A_522 = arith.addi %mul3A_328, %add3A_521 : i32
      %get3A_523 = arith.index_cast %add3A_522 : i32 to index
      %get3A_524 = tpu.vector_load %arg8[%get3A_523] {strides = array<i32>} : memref<6272xf32, #tpu.memory_space<vmem>>, vector<16xf32>,
      %add3A_525 = arith.constant 512 : i32
      %add3A_526 = vector.broadcast %add3A_525 : i32 to vector<16xi32>
      %add3A_527 = arith.addi %get3A_359, %add3A_526 : vector<16xi32>
      tpu.vector_store_idx %arg9[%add3A_527], %get3A_524 {add = true} : memref<1024xf32, #tpu.memory_space<vmem>>[vector<16xi32>], vector<16xf32>,
      %add3A_528 = arith.constant 0 : i32
      %add3A_529 = arith.addi %mul3A_328, %add3A_528 : i32
      %add3A_530 = arith.constant 768 : i32
      %add3A_531 = vector.broadcast %add3A_530 : i32 to vector<16xi32>
      %add3A_532 = arith.addi %get3A_331, %add3A_531 : vector<16xi32>
      tpu.vector_store_idx %arg9[%add3A_532], %broadcast_in_dim3A_265 {add = true} : memref<1024xf32, #tpu.memory_space<vmem>>[vector<16xi32>], vector<16xf32>,
      %add3A_533 = arith.constant 16 : i32
      %add3A_534 = arith.addi %mul3A_328, %add3A_533 : i32
      %add3A_535 = arith.constant 768 : i32
      %add3A_536 = vector.broadcast %add3A_535 : i32 to vector<16xi32>
      %add3A_537 = arith.addi %get3A_335, %add3A_536 : vector<16xi32>
      tpu.vector_store_idx %arg9[%add3A_537], %broadcast_in_dim3A_265 {add = true} : memref<1024xf32, #tpu.memory_space<vmem>>[vector<16xi32>], vector<16xf32>,
      %add3A_538 = arith.constant 32 : i32
      %add3A_539 = arith.addi %mul3A_328, %add3A_538 : i32
      %add3A_540 = arith.constant 768 : i32
      %add3A_541 = vector.broadcast %add3A_540 : i32 to vector<16xi32>
      %add3A_542 = arith.addi %get3A_339, %add3A_541 : vector<16xi32>
      tpu.vector_store_idx %arg9[%add3A_542], %broadcast_in_dim3A_265 {add = true} : memref<1024xf32, #tpu.memory_space<vmem>>[vector<16xi32>], vector<16xf32>,
      %add3A_543 = arith.constant 48 : i32
      %add3A_544 = arith.addi %mul3A_328, %add3A_543 : i32
      %add3A_545 = arith.constant 768 : i32
      %add3A_546 = vector.broadcast %add3A_545 : i32 to vector<16xi32>
      %add3A_547 = arith.addi %get3A_343, %add3A_546 : vector<16xi32>
      tpu.vector_store_idx %arg9[%add3A_547], %broadcast_in_dim3A_265 {add = true} : memref<1024xf32, #tpu.memory_space<vmem>>[vector<16xi32>], vector<16xf32>,
      %add3A_548 = arith.constant 64 : i32
      %add3A_549 = arith.addi %mul3A_328, %add3A_548 : i32
      %add3A_550 = arith.constant 768 : i32
      %add3A_551 = vector.broadcast %add3A_550 : i32 to vector<16xi32>
      %add3A_552 = arith.addi %get3A_347, %add3A_551 : vector<16xi32>
      tpu.vector_store_idx %arg9[%add3A_552], %broadcast_in_dim3A_265 {add = true} : memref<1024xf32, #tpu.memory_space<vmem>>[vector<16xi32>], vector<16xf32>,
      %add3A_553 = arith.constant 80 : i32
      %add3A_554 = arith.addi %mul3A_328, %add3A_553 : i32
      %add3A_555 = arith.constant 768 : i32
      %add3A_556 = vector.broadcast %add3A_555 : i32 to vector<16xi32>
      %add3A_557 = arith.addi %get3A_351, %add3A_556 : vector<16xi32>
      tpu.vector_store_idx %arg9[%add3A_557], %broadcast_in_dim3A_265 {add = true} : memref<1024xf32, #tpu.memory_space<vmem>>[vector<16xi32>], vector<16xf32>,
      %add3A_558 = arith.constant 96 : i32
      %add3A_559 = arith.addi %mul3A_328, %add3A_558 : i32
      %add3A_560 = arith.constant 768 : i32
      %add3A_561 = vector.broadcast %add3A_560 : i32 to vector<16xi32>
      %add3A_562 = arith.addi %get3A_355, %add3A_561 : vector<16xi32>
      tpu.vector_store_idx %arg9[%add3A_562], %broadcast_in_dim3A_265 {add = true} : memref<1024xf32, #tpu.memory_space<vmem>>[vector<16xi32>], vector<16xf32>,
      %add3A_563 = arith.constant 112 : i32
      %add3A_564 = arith.addi %mul3A_328, %add3A_563 : i32
      %add3A_565 = arith.constant 768 : i32
      %add3A_566 = vector.broadcast %add3A_565 : i32 to vector<16xi32>
      %add3A_567 = arith.addi %get3A_359, %add3A_566 : vector<16xi32>
      tpu.vector_store_idx %arg9[%add3A_567], %broadcast_in_dim3A_265 {add = true} : memref<1024xf32, #tpu.memory_space<vmem>>[vector<16xi32>], vector<16xf32>,
    }
    %scan3A_323 = arith.constant 25 : i32
    %mul3A_324 = arith.constant 1024 : i32
    %mul3A_325 = arith.muli %add3A, %mul3A_324 : i32
    "tpu.region"() ({
      %run_scoped3A = tpu.sem_alloc : memref<!tpu.dma_semaphore, #tpu.memory_space<semaphore_mem>>
      %dma_start3A_326 = arith.constant 0 : i32
      %dma_start3A_327 = tpu.memref_slice %arg9[%dma_start3A_326] : memref<1024xf32, #tpu.memory_space<vmem>> -> memref<1024xf32, #tpu.memory_space<vmem>>
      %dma_start3A_328 = tpu.memref_slice %arg4[%mul3A_325] : memref<32768xf32, #tpu.memory_space<hbm>> -> memref<1024xf32, #tpu.memory_space<hbm>>
      %dma_start3A_329 = tpu.memref_slice %arg4[%mul3A_325] : memref<32768xf32, #tpu.memory_space<hbm>> -> memref<1024xf32, #tpu.memory_space<hbm>>
      %dma_start3A_330 = arith.constant 0 : i32
      %dma_start3A_331 = tpu.memref_slice %arg9[%dma_start3A_330] : memref<1024xf32, #tpu.memory_space<vmem>> -> memref<1024xf32, #tpu.memory_space<vmem>>
      tpu.enqueue_dma source(%dma_start3A_331 : memref<1024xf32, #tpu.memory_space<vmem>>) target(%dma_start3A_329 : memref<1024xf32, #tpu.memory_space<hbm>>) target_semaphore(%run_scoped3A : memref<!tpu.dma_semaphore, #tpu.memory_space<semaphore_mem>>)
      %dma_wait3A_332 = arith.constant 0 : i32
      %dma_wait3A_333 = tpu.memref_slice %arg9[%dma_wait3A_332] : memref<1024xf32, #tpu.memory_space<vmem>> -> memref<1024xf32, #tpu.memory_space<vmem>>
      %dma_wait3A_334 = tpu.memref_slice %arg4[%mul3A_325] : memref<32768xf32, #tpu.memory_space<hbm>> -> memref<1024xf32, #tpu.memory_space<hbm>>
      %dma_wait3A_335 = tpu.memref_slice %arg4[%mul3A_325] : memref<32768xf32, #tpu.memory_space<hbm>> -> memref<1024xf32, #tpu.memory_space<hbm>>
      %dma_wait3A_336 = arith.constant 0 : i32
      %dma_wait3A_337 = tpu.memref_slice %arg9[%dma_wait3A_336] : memref<1024xf32, #tpu.memory_space<vmem>> -> memref<1024xf32, #tpu.memory_space<vmem>>
      tpu.wait_dma2 semaphore(%run_scoped3A : memref<!tpu.dma_semaphore, #tpu.memory_space<semaphore_mem>>) src(%dma_wait3A_337 : memref<1024xf32, #tpu.memory_space<vmem>>) dst(%dma_wait3A_335 : memref<1024xf32, #tpu.memory_space<hbm>>)
      tpu.yield
    }) : () -> ()
    return
  }
}

module attributes {stable_mosaic.version = 14 : i64} {
  func.func @tc_kernel(%arg0: memref<3x768xf32, #tpu.memory_space<vmem>>, %arg1: memref<1x768xf32, #tpu.memory_space<vmem>>, %arg2: memref<768x768xf32, #tpu.memory_space<vmem>>, %arg3: memref<1x768xf32, #tpu.memory_space<vmem>>, %arg4: memref<4x768xf32, #tpu.memory_space<vmem>>) attributes {dimension_semantics = [], scalar_prefetch = 0 : i64, scratch_operands = 0 : i64, tpu.core_type = #tpu.core_type<tc>} {
    %get3A = arith.constant 0 : index
    %get3A_0 = arith.constant 0 : index
    %get3A_1 = vector.load %arg2[%get3A, %get3A_0] : memref<768x768xf32, #tpu.memory_space<vmem>>, vector<768x768xf32>
    %get3A_2 = arith.constant 0 : index
    %get3A_3 = arith.constant 0 : index
    %get3A_4 = vector.load %arg0[%get3A_2, %get3A_3] : memref<3x768xf32, #tpu.memory_space<vmem>>, vector<3x768xf32>
    %dot_general3A = arith.constant dense<0.000000e+00> : vector<3x768xf32>
    %dot_general3A_5 = tpu.matmul %get3A_4, %get3A_1, %dot_general3A {dimension_numbers = #tpu.dot_dimension_numbers<[1], [0], [0], [1], [0, 0, 1, 1], [], []>, transpose_lhs_hint = false} : vector<3x768xf32>, vector<768x768xf32>, vector<3x768xf32> -> vector<3x768xf32>
    %swap3A = arith.constant 0 : index
    %swap3A_6 = arith.constant 0 : index
    %swap3A_7 = vector.load %arg4[%swap3A, %swap3A_6] : memref<4x768xf32, #tpu.memory_space<vmem>>, vector<3x768xf32>
    tpu.vector_store %arg4[%swap3A, %swap3A_6], %dot_general3A_5 {strides = array<i32>} : memref<4x768xf32, #tpu.memory_space<vmem>>, vector<3x768xf32>,
    %get3A_8 = arith.constant 0 : index
    %get3A_9 = arith.constant 0 : index
    %get3A_10 = vector.load %arg1[%get3A_8, %get3A_9] : memref<1x768xf32, #tpu.memory_space<vmem>>, vector<1x768xf32>
    %dot_general3A_11 = arith.constant dense<0.000000e+00> : vector<1x768xf32>
    %dot_general3A_12 = tpu.matmul %get3A_10, %get3A_1, %dot_general3A_11 {dimension_numbers = #tpu.dot_dimension_numbers<[1], [0], [0], [1], [0, 0, 1, 1], [], []>, transpose_lhs_hint = false} : vector<1x768xf32>, vector<768x768xf32>, vector<1x768xf32> -> vector<1x768xf32>
    %get3A_13 = arith.constant 0 : index
    %get3A_14 = arith.constant 0 : index
    %get3A_15 = vector.load %arg3[%get3A_13, %get3A_14] : memref<1x768xf32, #tpu.memory_space<vmem>>, vector<1x768xf32>
    %add3A = arith.addf %dot_general3A_12, %get3A_15 : vector<1x768xf32>
    %swap3A_16 = arith.constant 3 : index
    %swap3A_17 = arith.constant 0 : index
    %swap3A_18 = vector.load %arg4[%swap3A_16, %swap3A_17] : memref<4x768xf32, #tpu.memory_space<vmem>>, vector<1x768xf32>
    tpu.vector_store %arg4[%swap3A_16, %swap3A_17], %add3A {strides = array<i32>} : memref<4x768xf32, #tpu.memory_space<vmem>>, vector<1x768xf32>,
    return
  }
}

module attributes {stable_mosaic.version = 14 : i64} {
  func.func @tc_kernel(%arg0: memref<4x8x1024xf32, #tpu.memory_space<vmem>>, %arg1: memref<4x768xf32, #tpu.memory_space<vmem>>, %arg2: memref<4x196x768xf32, #tpu.memory_space<vmem>>) attributes {dimension_semantics = [], scalar_prefetch = 0 : i64, scratch_operands = 0 : i64, tpu.core_type = #tpu.core_type<tc>} {
    %get3A = arith.constant 0 : index
    %get3A_0 = arith.constant 0 : index
    %get3A_1 = arith.constant 0 : index
    %get3A_2 = vector.load %arg0[%get3A, %get3A_0, %get3A_1] : memref<4x8x1024xf32, #tpu.memory_space<vmem>>, vector<4x8x1024xf32>
    %reduce_sum3A = arith.constant dense<0.000000e+00> : vector<4x1024xf32>
    %reduce_sum3A_3 = vector.multi_reduction <add>, %get3A_2, %reduce_sum3A [1] : vector<4x8x1024xf32> to vector<4x1024xf32>
    %slice3A = vector.extract_strided_slice %reduce_sum3A_3 {offsets = [0, 768], sizes = [4, 256], strides = [1, 1]} : vector<4x1024xf32> to vector<4x256xf32>
    %jit3A = arith.constant 1.000000e+00 : f32
    %max3A = vector.broadcast %jit3A : f32 to vector<4x256xf32>
    %max3A_4 = arith.maximumf %max3A, %slice3A : vector<4x256xf32>
    %get3A_5 = arith.constant 3 : index
    %get3A_6 = arith.constant 0 : index
    %get3A_7 = vector.load %arg1[%get3A_5, %get3A_6] : memref<4x768xf32, #tpu.memory_space<vmem>>, vector<1x768xf32>
    %broadcast_in_dim3A = vector.shape_cast %get3A_7 : vector<1x768xf32> to vector<1x768xf32>
    %broadcast_in_dim3A_8 = vector.broadcast %broadcast_in_dim3A : vector<1x768xf32> to vector<4x768xf32>
    %slice3A_9 = vector.extract_strided_slice %reduce_sum3A_3 {offsets = [0, 0], sizes = [4, 256], strides = [1, 1]} : vector<4x1024xf32> to vector<4x256xf32>
    %div3A = arith.divf %slice3A_9, %max3A_4 : vector<4x256xf32>
    %reduce_sum3A_10 = arith.constant dense<0.000000e+00> : vector<4xf32>
    %reduce_sum3A_11 = vector.multi_reduction <add>, %div3A, %reduce_sum3A_10 [1] : vector<4x256xf32> to vector<4xf32>
    %broadcast_in_dim3A_12 = vector.shape_cast %reduce_sum3A_11 : vector<4xf32> to vector<4x1xf32>
    %div3A_13 = arith.constant 1.960000e+02 : f32
    %div3A_14 = vector.broadcast %div3A_13 : f32 to vector<4x1xf32>
    %div3A_15 = arith.divf %broadcast_in_dim3A_12, %div3A_14 : vector<4x1xf32>
    %get3A_16 = arith.constant 0 : index
    %get3A_17 = arith.constant 0 : index
    %get3A_18 = vector.load %arg1[%get3A_16, %get3A_17] : memref<4x768xf32, #tpu.memory_space<vmem>>, vector<1x768xf32>
    %mul3A = vector.broadcast %div3A_15 : vector<4x1xf32> to vector<4x768xf32>
    %mul3A_19 = vector.broadcast %get3A_18 : vector<1x768xf32> to vector<4x768xf32>
    %mul3A_20 = arith.mulf %mul3A, %mul3A_19 : vector<4x768xf32>
    %add3A = arith.addf %broadcast_in_dim3A_8, %mul3A_20 : vector<4x768xf32>
    %slice3A_21 = vector.extract_strided_slice %reduce_sum3A_3 {offsets = [0, 256], sizes = [4, 256], strides = [1, 1]} : vector<4x1024xf32> to vector<4x256xf32>
    %div3A_22 = arith.divf %slice3A_21, %max3A_4 : vector<4x256xf32>
    %reduce_sum3A_23 = arith.constant dense<0.000000e+00> : vector<4xf32>
    %reduce_sum3A_24 = vector.multi_reduction <add>, %div3A_22, %reduce_sum3A_23 [1] : vector<4x256xf32> to vector<4xf32>
    %broadcast_in_dim3A_25 = vector.shape_cast %reduce_sum3A_24 : vector<4xf32> to vector<4x1xf32>
    %div3A_26 = arith.constant 1.960000e+02 : f32
    %div3A_27 = vector.broadcast %div3A_26 : f32 to vector<4x1xf32>
    %div3A_28 = arith.divf %broadcast_in_dim3A_25, %div3A_27 : vector<4x1xf32>
    %get3A_29 = arith.constant 1 : index
    %get3A_30 = arith.constant 0 : index
    %get3A_31 = vector.load %arg1[%get3A_29, %get3A_30] : memref<4x768xf32, #tpu.memory_space<vmem>>, vector<1x768xf32>
    %mul3A_32 = vector.broadcast %div3A_28 : vector<4x1xf32> to vector<4x768xf32>
    %mul3A_33 = vector.broadcast %get3A_31 : vector<1x768xf32> to vector<4x768xf32>
    %mul3A_34 = arith.mulf %mul3A_32, %mul3A_33 : vector<4x768xf32>
    %add3A_35 = arith.addf %add3A, %mul3A_34 : vector<4x768xf32>
    %slice3A_36 = vector.extract_strided_slice %reduce_sum3A_3 {offsets = [0, 512], sizes = [4, 256], strides = [1, 1]} : vector<4x1024xf32> to vector<4x256xf32>
    %div3A_37 = arith.divf %slice3A_36, %max3A_4 : vector<4x256xf32>
    %reduce_sum3A_38 = arith.constant dense<0.000000e+00> : vector<4xf32>
    %reduce_sum3A_39 = vector.multi_reduction <add>, %div3A_37, %reduce_sum3A_38 [1] : vector<4x256xf32> to vector<4xf32>
    %broadcast_in_dim3A_40 = vector.shape_cast %reduce_sum3A_39 : vector<4xf32> to vector<4x1xf32>
    %div3A_41 = arith.constant 1.960000e+02 : f32
    %div3A_42 = vector.broadcast %div3A_41 : f32 to vector<4x1xf32>
    %div3A_43 = arith.divf %broadcast_in_dim3A_40, %div3A_42 : vector<4x1xf32>
    %get3A_44 = arith.constant 2 : index
    %get3A_45 = arith.constant 0 : index
    %get3A_46 = vector.load %arg1[%get3A_44, %get3A_45] : memref<4x768xf32, #tpu.memory_space<vmem>>, vector<1x768xf32>
    %mul3A_47 = vector.broadcast %div3A_43 : vector<4x1xf32> to vector<4x768xf32>
    %mul3A_48 = vector.broadcast %get3A_46 : vector<1x768xf32> to vector<4x768xf32>
    %mul3A_49 = arith.mulf %mul3A_47, %mul3A_48 : vector<4x768xf32>
    %add3A_50 = arith.addf %add3A_35, %mul3A_49 : vector<4x768xf32>
    %broadcast_in_dim3A_51 = vector.shape_cast %add3A_50 : vector<4x768xf32> to vector<4x1x768xf32>
    %broadcast_in_dim3A_52 = vector.shape_cast %broadcast_in_dim3A_51 : vector<4x1x768xf32> to vector<4x1x768xf32>
    %broadcast_in_dim3A_53 = vector.broadcast %broadcast_in_dim3A_52 : vector<4x1x768xf32> to vector<4x196x768xf32>
    %swap3A = arith.constant 0 : index
    %swap3A_54 = arith.constant 0 : index
    %swap3A_55 = arith.constant 0 : index
    %swap3A_56 = vector.load %arg2[%swap3A, %swap3A_54, %swap3A_55] : memref<4x196x768xf32, #tpu.memory_space<vmem>>, vector<4x196x768xf32>
    tpu.vector_store %arg2[%swap3A, %swap3A_54, %swap3A_55], %broadcast_in_dim3A_53 {strides = array<i32>} : memref<4x196x768xf32, #tpu.memory_space<vmem>>, vector<4x196x768xf32>,
    return
  }
}

</mosaic_0001>

<sc_bundles>
// kernel: kernel.5.cloned.1.call-start
scs
__scs_entry_jumppad:
0x0: {  	(pc) =	sbr.rel $0x88, $3  }
0x1: {  	(tag) =	ssettag $0x0;
	lr =	simm.s32 $0x1  }
0x2: {  	[smem:$0x3F9B] =	sst lr;
	_ =	strace $0xD0000000  }
0x3: {  	_ = 	snop  }
0x4: {  	_ = 	snop  }
0x5: {  	_ = 	snop  }
0x6: {  	_ = 	snop  }
0x7: {  	_ = 	snop  }
__scs_overlays_trampoline_lowered:
0x8: {  	[smem:$0x3FAA] =	sst s0  }
0x9: {  	[smem:$0x3FAB] =	sst s1  }
0xa: {  	[smem:$0x3FAC] =	sst s2  }
0xb: {  	[smem:$0x3FAD] =	sst s3  }
0xc: {  	[smem:$0x3FAE] =	sst s4  }
0xd: {  	[smem:$0x3FAF] =	sst s5  }
0xe: {  	[smem:$0x3FB0] =	sst s6  }
0xf: {  	[smem:$0x3FB1] =	sst s7  }
0x10: {  	[smem:$0x3FB2] =	sst s8  }
0x11: {  	[smem:$0x3FB3] =	sst s9;
	s0 =	simm.s32 @!p0 $0x0  }
0x12: {  	s1 =	sld [smem:$0x3F99];
	s0 =	simm.s32 @p0 $0x1  }
0x13: {  	[smem:$0x3FB4] =	sst s0;
	s0 =	simm.s32 @!p1 $0x0  }
0x14: {  	s2 =	sld [smem:$0x3F98];
	s0 =	simm.s32 @p1 $0x1  }
0x15: {  	[smem:$0x3FB5] =	sst s0;
	s0 =	simm.s32 @!p2 $0x0  }
0x16: {  	s3 =	sld [smem:$0x3FDB];
	s0 =	simm.s32 @p2 $0x1  }
0x17: {  	s4 =	simm.s32 $0x1BF5;
	[smem:$0x3FB7] =	sst s0  }
0x18: {  	s0 =	sld [smem:$0x3F9A];
	_ =	swait.ge [sflag:s4], $0x0  }
0x19: {  	s7 =	sld [smem:$0x3F9B]  }
0x1a: {  	s8 =	sadd.s32 $0xFFFFE003, lr  }
0x1b: {  	s9 =	sadd.s32 $0xFFFFFEF7, lr;
	s5 =	simm.s32 $0xFFFFFFFF;
	p2 =	slt.u32 s8, $0xFFFFF086  }
0x1c: {  	p1 =	slt.u32 s9, $0xF7A;
	s5 =	simm.s32 @!p2 $0x0  }
0x1d: {  	s5 =	simm.s32 @p1 $0x1;
	p0 =	seq.s32 s7, s2  }
0x1e: {  	s7 =	smul.u32 @!p0 $0xF7A, s2;
	p2 =	seq.s32 @!p0 s5, $0x0  }
0x1f: {  	s9 =	smul.u32 $0xF7A, s1;
	s8 =	simm.s32 @!p0 $0x1BF5;
	p2 =	por !p2, p0  }
0x20: {  	[sflag:s8] =	ssyncset.s32 @!p0 $0xFFFFF086;
	s6 =	sadd.s32 @!p0 s3, s7;
	s7 =	simm.s32 @!p0 $0x108  }
0x21: {  	s3 =	sadd.s32 s3, s9;
	s6 =	sadd.s32 @!p0 $0x88, s6;
	s7 =	simm.s32 @p2 $0x1082  }
0x22: {  	[simem:s7], [sflag:s8] =	dma.local @!p0 [hbm:s6], $0xF7A  }
0x23: {  	s9 =	sor.u32 $0xD0000000, s2;
	s6 =	simm.s32 $0x108;
	_ =	swait.ge @!p0 [sflag:s8], $0x0  }
0x24: {  	s3 =	sadd.s32 $0x88, s3;
	s6 =	simm.s32 @!p1 $0x1082;
	[sflag:s4] =	ssyncset.s32 $0xFFFFF086  }
0x25: {  	[simem:s6], [sflag:s4] =	dma.local [hbm:s3], $0xF7A  }
0x26: {  	[smem:$0x3F9B] =	sst s1;
	(tag) =	ssettag s2;
	_ =	strace s9  }
0x27: {  	s1 =	sld [smem:$0x3FAB]  }
0x28: {  	s2 =	sld [smem:$0x3FAC]  }
0x29: {  	s4 =	sld [smem:$0x3FAE]  }
0x2a: {  	p0 =	seq.s32 s5, $0x0;
	s5 =	sld [smem:$0x3FAF]  }
0x2b: {  	s6 =	sld [smem:$0x3FB0]  }
0x2c: {  	s7 =	sld [smem:$0x3FB1]  }
0x2d: {  	s3 =	simm.s32 $0x108;
	s8 =	sld [smem:$0x3FB2]  }
0x2e: {  	s3 =	simm.s32 @!p0 $0x1082;
	s9 =	sld [smem:$0x3FB3]  }
0x2f: {  	lr =	sadd.s32 s0, s3;
	s0 =	sld [smem:$0x3FAA]  }
0x30: {  	s3 =	sld [smem:$0x3FAD]  }
0x31: {  	[smem:$0x3FB6] =	sst s10  }
0x32: {  	s10 =	sld [smem:$0x3FB4];
	_ =	sdelay $0x3  }
0x33: {  	p0 =	seq.s32 s10, $0x1;
	s10 =	sld [smem:$0x3FB6];
	_ =	sdelay $0x3  }
0x34: {  	[smem:$0x3FB6] =	sst s10  }
0x35: {  	s10 =	sld [smem:$0x3FB5];
	_ =	sdelay $0x3  }
0x36: {  	p1 =	seq.s32 s10, $0x1;
	s10 =	sld [smem:$0x3FB6];
	_ =	sdelay $0x3  }
0x37: {  	[smem:$0x3FB6] =	sst s10  }
0x38: {  	s10 =	sld [smem:$0x3FB7]  }
0x39: {  	_ = 	snop;
	(pc) =	sbr.ind lr, $3  }
0x3a: {  	_ = 	snop  }
0x3b: {  	_ = 	snop  }
0x3c: {  	p2 =	seq.s32 s10, $0x1;
	s10 =	sld [smem:$0x3FB6]  }
0x3d: {  	_ =	shalt  }
0x3e: {  	_ =	shalt  }
0x3f: {  	_ =	shalt  }
0x40: {  	_ =	shalt  }
0x41: {  	_ =	shalt  }
0x42: {  	_ =	shalt  }
0x43: {  	_ =	shalt  }
0x44: {  	_ =	shalt  }
0x45: {  	_ =	shalt  }
0x46: {  	_ =	shalt  }
0x47: {  	_ =	shalt  }
0x48: {  	_ =	shalt  }
0x49: {  	_ =	shalt  }
0x4a: {  	_ =	shalt  }
0x4b: {  	_ =	shalt  }
0x4c: {  	_ =	shalt  }
0x4d: {  	_ =	shalt  }
0x4e: {  	_ =	shalt  }
0x4f: {  	_ =	shalt  }
0x50: {  	_ =	shalt  }
0x51: {  	_ =	shalt  }
0x52: {  	_ =	shalt  }
0x53: {  	_ =	shalt  }
0x54: {  	_ =	shalt  }
0x55: {  	_ =	shalt  }
0x56: {  	_ =	shalt  }
0x57: {  	_ =	shalt  }
0x58: {  	_ =	shalt  }
0x59: {  	_ =	shalt  }
0x5a: {  	_ =	shalt  }
0x5b: {  	_ =	shalt  }
0x5c: {  	_ =	shalt  }
0x5d: {  	_ =	shalt  }
0x5e: {  	_ =	shalt  }
0x5f: {  	_ =	shalt  }
0x60: {  	_ =	shalt  }
0x61: {  	_ =	shalt  }
0x62: {  	_ =	shalt  }
0x63: {  	_ =	shalt  }
0x64: {  	_ =	shalt  }
0x65: {  	_ =	shalt  }
0x66: {  	_ =	shalt  }
0x67: {  	_ =	shalt  }
0x68: {  	_ =	shalt  }
0x69: {  	_ =	shalt  }
0x6a: {  	_ =	shalt  }
0x6b: {  	_ =	shalt  }
0x6c: {  	_ =	shalt  }
0x6d: {  	_ =	shalt  }
0x6e: {  	_ =	shalt  }
0x6f: {  	_ =	shalt  }
0x70: {  	_ =	shalt  }
0x71: {  	_ =	shalt  }
0x72: {  	_ =	shalt  }
0x73: {  	_ =	shalt  }
0x74: {  	_ =	shalt  }
0x75: {  	_ =	shalt  }
0x76: {  	_ =	shalt  }
0x77: {  	_ =	shalt  }
0x78: {  	_ =	shalt  }
0x79: {  	_ =	shalt  }
0x7a: {  	_ =	shalt  }
0x7b: {  	_ =	shalt  }
0x7c: {  	_ =	shalt  }
0x7d: {  	_ =	shalt  }
0x7e: {  	_ =	shalt  }
0x7f: {  	_ =	shalt  }
0x80: {  	_ =	shalt  }
0x81: {  	_ =	shalt  }
0x82: {  	_ =	shalt  }
0x83: {  	_ =	shalt  }
0x84: {  	_ =	shalt  }
0x85: {  	_ =	shalt  }
0x86: {  	_ =	shalt  }
0x87: {  	_ =	shalt  }
.Lfunc_end0:
.L_simem_size_0:
called_computation_lowered:
.L_overlay_start_0:
0x88: {  	s2 =	sld [smem:$0x3FD9]  }
0x89: {  	s3 =	sld [smem:$0x3FFE];
	_ =	sdelay $0x1  }
0x8a: {  	s1 =	srdreg.scid  }
0x8b: {  	s0 =	sand.u32 $0x1, s1  }
0x8c: {  	s17 =	sshll.u32 s0, $0xA;
	s2 =	sadd.s32 s3, s2  }
0x8d: {  	s2 =	sadd.s32 s2, s17  }
0x8e: {  	[smem:$0x3FC2] =	sst s2  }
0x8f: {  	_ = 	snop  }
0x90: {  	s2 =	sld [smem:$0x3FD0];
	(tm) =	ssettm $0x1  }
0x91: {  	s18 =	sld [smem:$0x3FFB];
	_ =	sdelay $0x3  }
0x92: {  	_ =	strace s18  }
0x93: {  	s3 =	sld [smem:$0x3FFC];
	_ =	sdelay $0x3  }
0x94: {  	_ =	strace s3  }
0x95: {  	s3 =	sld [smem:$0x3FFD];
	_ =	sdelay $0x3  }
0x96: {  	_ =	strace s3  }
0x97: {  	_ =	strace $0x8FFFFFFF  }
0x98: {  	s19 =	sld [smem:$0x3FDB];
	_ =	sdelay $0x1  }
0x99: {  	s4 =	simm.s32 $_scs_section_size  }
0x9a: {  	s5 =	simm.s32 $_size__tile_overlayer_lowered;
	s6 =	simm.s32 $_tile_overlayer_lowered  }
0x9b: {  	s22 =	simm.s32 $0x1BFF;
	s21 =	sshll.u32 s6, $0x1;
	s3 =	sadd.s32 s4, s19  }
0x9c: {  	s7 =	simm.s32 $0x0;
	s20 =	sshll.u32 s5, $0x1;
	s5 =	sadd.s32 s21, s3  }
0x9d: {  	[timem:s7], [sflag:s22] =	dma.local [hbm:s5], s20  }
0x9e: {  	_ =	swait.ge [sflag:s22], s20  }
0x9f: {  	s4 =	ssub.s32 $0x0, s20;
	[sflag:s22] =	ssyncset.done $0x0  }
0xa0: {  	[sflag:s22] =	ssyncadd.s32 s4;
	_ =	sdelay $0x1  }
0xa1: {  	s23 =	simm.s32 $0x1B8B  }
0xa2: {  	_ =	swait.ge [sflag:s23], $0x1  }
0xa3: {  	[sflag:s23] =	ssyncset.done $0x0  }
0xa4: {  	s25 =	simm.s32 $0x1B8E;
	s24 =	sld [smem:$0x3FFE];
	[sflag:s23] =	ssyncadd.s32 $0xFFFFFFFF  }
0xa5: {  	s26 =	simm.s32 $execute0_lowered;
	[smem:$0x3FD2] =	sst s25  }
0xa6: {  	s5 =	sshll.u32 s26, $0x1;
	_ =	strace $0x80000046;
	[dreg:$0x1] =	wrdreg $0xFFFFFFFF  }
0xa7: {  	s28 =	simm.s32 $_size_execute0_lowered;
	s3 =	sadd.s32 s3, s5;
	[dreg:$0x0] =	wrdreg $0x0  }
0xa8: {  	s5 =	sshll.u32 s28, $0x1;
	[dreg:$0x2] =	wrdreg s3  }
0xa9: {  	[dreg:$0x3] =	wrdreg s5  }
0xaa: {  	[dreg:$0x4] =	wrdreg $0xC0  }
0xab: {  	_ =	task [dreg:s7], $0x5FFFF  }
0xac: {  	[dreg:$0x1] =	wrdreg $0xFFFFFFFF  }
0xad: {  	[dreg:$0x0] =	wrdreg $0x60  }
0xae: {  	[dreg:$0x2] =	wrdreg s2  }
0xaf: {  	[dreg:$0x3] =	wrdreg s24  }
0xb0: {  	[dreg:$0x4] =	wrdreg $0x9  }
0xb1: {  	_ =	task.clear_ibuf [dreg:s7], $0x5FFFF;
	_ =	strace $0x90000046  }
0xb2: {  	s29 =	simm.s32 $0x9;
	_ =	strace $0x80000048  }
0xb3: {  	_ =	swait.ge [sflag:s29], $0x1  }
0xb4: {  	[sflag:s29] =	ssyncadd.s32 $0xFFFFFFFF  }
0xb5: {  	_ =	strace $0x90000048  }
0xb6: {  	_ =	sfence  }
0xb7: {  	s30 =	sld [smem:$0x0];
	_ =	sdelay $0x2  }
0xb8: {  	s31 =	sshll.u32 s1, $0xD;
	s1 =	sshrl.u32 s1, $0x2  }
0xb9: {  	s3 =	sand.u32 $0x4000, s31;
	s1 =	sadd.s32 s1, s30  }
0xba: {  	s0 =	sor.u32 s3, s0;
	s1 =	sshll.u32 s1, $0x11  }
0xbb: {  	s0 =	sor.u32 s1, s0  }
0xbc: {  	s0 =	sadd.s32 $0x8F2B, s0  }
0xbd: {  	[sflag:s0] =	ssyncadd.remote.s32 $0x1  }
0xbe: {  	_ =	sfence.sel $0xFFFF  }
0xbf: {  	[dreg:$0x0] =	wrdreg $0xFFFFFFFF;
	(pc) =	sbr.abs _section_cstart, $3  }
0xc0: {  	[dreg:$0x1] =	wrdreg $0xFFFFFFFF  }
0xc1: {  	_ =	task.clear_ibuf [dreg:s7], $0x2FFFF;
	_ =	strace $0x9FFFFFFF  }
0xc2: {  	(tm) =	ssettm $0x7FFFFFFF  }
0xc3: {  	_ =	shalt  }
tec
execute0_lowered:
.L_overlay_start_1:
0x0: {  	(tag) =	ssettag $0x1  }
0x1: {  	s1 =	srdreg.scid  }
0x2: {  	s0 =	stileid.u32;
	s5 =	rddreg [dreg:$0x0]  }
0x3: {  	s8 =	rddreg [dreg:$0x1];
	s2 =	simm.s32 $0x0;
	s13 =	simm.s32 $0x1880  }
0x4: {  	s14 =	simm.s32 $0x3100;
	s15 =	simm.s32 $0x4980;
	s16 =	simm.s32 $0xC40  }
0x5: {  	s17 =	simm.s32 $0x24C0;
	s18 =	simm.s32 $0x3D40;
	s19 =	simm.s32 $0x55C0  }
0x6: {  	s20 =	simm.s32 $0x1;
	s21 =	simm.s32 $0x6200;
	s22 =	simm.s32 $0x2  }
0x7: {  	s3 =	sand.u32 $0x1, s1;
	s30 =	sshll.u32 s0, $0x1;
	s6 =	sshrl.u32 s0, $0x2  }
0x8: {  	s23 =	simm.s32 $0x3;
	s4 =	sor.u32 s3, s30;
	s9 =	smul.u32 $0xC400, s6  }
0x9: {  	s24 =	simm.s32 $0x0;
	s6 =	smul.u32 $0x24C00, s6;
	s1 =	sand.u32 $0x7, s4  }
0xa: {  	[smem:$0x7FF] =	sst s2;
	s3 =	ssub.s32 $0x2, s3;
	s7 =	smul.u32 $0x1880, s1  }
0xb: {  	s4 =	sshll.u32 s4, $0x7;
	s31 =	sshrl.u32 s3, $0x1;
	s1 =	rddreg [dreg:$0x2]  }
0xc: {  	_ =	strace $0x80000047;
	s11 =	sadd.s32 s4, s8;
	s9 =	sadd.s32 s9, s7  }
0xd: {  	s12 =	ssub.s32 s3, s31;
	s6 =	sadd.s32 s6, s7;
	s9 =	sshrl.u32 s9, $0x3  }
0xe: {  	s11 =	sadd.s32 $0x6E00, s11;
	s6 =	sshrl.u32 s6, $0x3;
	s9 =	sadd.s32 s9, s8  }
0xf: {  	s12 =	smax.u32 s12, $0x1;
	s3 =	sadd.s32 s5, s6;
	s4 =	sadd.s32 $0xC00, s9  }
0x10: {  	s5 =	sadd.s32 $0x1880, s3;
	s6 =	sadd.s32 $0x3100, s3;
	s7 =	sadd.s32 $0xD88, s9  }
0x11: {  	v0 =	vimm.f32 $0.0e+00;
	v1 =	vimm.f32 $1.000000000e+00;
	s8 =	sadd.s32 $0x188, s3;
	s9 =	sadd.s32 $0x1A08, s3;
	s10 =	sadd.s32 $0x3288, s3  }
.LBB2_1:
0x12: {  	[tilespmem:s2], [sflag:$0x1] =	stream.linear.gather [hbm4b:s4+s2], $0xC40, $0x38;
	[tilespmem:$0x6600] =	vst v63  }
0x13: {  	_ = 	snop  }
0x14: {  	[tilespmem:s13], [sflag:$0x1] =	stream.linear.gather [hbm4b:s3+s2], $0xC40, $0x38;
	[tilespmem:$0x6600] =	vst v63  }
0x15: {  	_ = 	snop  }
0x16: {  	[tilespmem:s14], [sflag:$0x1] =	stream.linear.gather [hbm4b:s5+s2], $0xC40, $0x38;
	[tilespmem:$0x6600] =	vst v63  }
0x17: {  	_ = 	snop  }
0x18: {  	[tilespmem:s15], [sflag:$0x1] =	stream.linear.gather [hbm4b:s6+s2], $0xC40, $0x38;
	[tilespmem:$0x6600] =	vst v63  }
0x19: {  	_ = 	snop  }
0x1a: {  	[tilespmem:s16], [sflag:$0x2] =	stream.linear.gather [hbm4b:s7+s2], $0xC40, $0x38;
	[tilespmem:$0x6600] =	vst v63  }
0x1b: {  	_ = 	snop  }
0x1c: {  	[tilespmem:s17], [sflag:$0x2] =	stream.linear.gather [hbm4b:s8+s2], $0xC40, $0x38;
	[tilespmem:$0x6600] =	vst v63  }
0x1d: {  	_ = 	snop  }
0x1e: {  	[tilespmem:s18], [sflag:$0x2] =	stream.linear.gather [hbm4b:s9+s2], $0xC40, $0x38;
	[tilespmem:$0x6600] =	vst v63  }
0x1f: {  	_ = 	snop  }
0x20: {  	[tilespmem:s19], [sflag:$0x2] =	stream.linear.gather [hbm4b:s10+s2], $0xC40, $0x38;
	[tilespmem:$0x6600] =	vst v63  }
0x21: {  	[tilespmem:$0x6200] =	vst v0  }
0x22: {  	[tilespmem:$0x6210] =	vst v0  }
0x23: {  	[tilespmem:$0x6220] =	vst v0  }
0x24: {  	[tilespmem:$0x6230] =	vst v0  }
0x25: {  	[tilespmem:$0x6240] =	vst v0  }
0x26: {  	[tilespmem:$0x6250] =	vst v0  }
0x27: {  	[tilespmem:$0x6260] =	vst v0  }
0x28: {  	[tilespmem:$0x6270] =	vst v0  }
0x29: {  	[tilespmem:$0x6280] =	vst v0  }
0x2a: {  	[tilespmem:$0x6290] =	vst v0  }
0x2b: {  	[tilespmem:$0x62A0] =	vst v0  }
0x2c: {  	[tilespmem:$0x62B0] =	vst v0  }
0x2d: {  	[tilespmem:$0x62C0] =	vst v0  }
0x2e: {  	[tilespmem:$0x62D0] =	vst v0  }
0x2f: {  	[tilespmem:$0x62E0] =	vst v0  }
0x30: {  	[tilespmem:$0x62F0] =	vst v0  }
0x31: {  	[tilespmem:$0x6300] =	vst v0  }
0x32: {  	[tilespmem:$0x6310] =	vst v0  }
0x33: {  	[tilespmem:$0x6320] =	vst v0  }
0x34: {  	[tilespmem:$0x6330] =	vst v0  }
0x35: {  	[tilespmem:$0x6340] =	vst v0  }
0x36: {  	[tilespmem:$0x6350] =	vst v0  }
0x37: {  	[tilespmem:$0x6360] =	vst v0  }
0x38: {  	[tilespmem:$0x6370] =	vst v0  }
0x39: {  	[tilespmem:$0x6380] =	vst v0  }
0x3a: {  	[tilespmem:$0x6390] =	vst v0  }
0x3b: {  	[tilespmem:$0x63A0] =	vst v0  }
0x3c: {  	[tilespmem:$0x63B0] =	vst v0  }
0x3d: {  	[tilespmem:$0x63C0] =	vst v0  }
0x3e: {  	[tilespmem:$0x63D0] =	vst v0  }
0x3f: {  	[tilespmem:$0x63E0] =	vst v0  }
0x40: {  	[tilespmem:$0x63F0] =	vst v0  }
0x41: {  	[tilespmem:$0x6400] =	vst v0  }
0x42: {  	[tilespmem:$0x6410] =	vst v0  }
0x43: {  	[tilespmem:$0x6420] =	vst v0  }
0x44: {  	[tilespmem:$0x6430] =	vst v0  }
0x45: {  	[tilespmem:$0x6440] =	vst v0  }
0x46: {  	[tilespmem:$0x6450] =	vst v0  }
0x47: {  	[tilespmem:$0x6460] =	vst v0  }
0x48: {  	[tilespmem:$0x6470] =	vst v0  }
0x49: {  	[tilespmem:$0x6480] =	vst v0  }
0x4a: {  	[tilespmem:$0x6490] =	vst v0  }
0x4b: {  	[tilespmem:$0x64A0] =	vst v0  }
0x4c: {  	[tilespmem:$0x64B0] =	vst v0  }
0x4d: {  	[tilespmem:$0x64C0] =	vst v0  }
0x4e: {  	[tilespmem:$0x64D0] =	vst v0  }
0x4f: {  	[tilespmem:$0x64E0] =	vst v0  }
0x50: {  	[tilespmem:$0x64F0] =	vst v0  }
0x51: {  	[tilespmem:$0x6500] =	vst v0  }
0x52: {  	[tilespmem:$0x6510] =	vst v0  }
0x53: {  	[tilespmem:$0x6520] =	vst v0  }
0x54: {  	[tilespmem:$0x6530] =	vst v0  }
0x55: {  	[tilespmem:$0x6540] =	vst v0  }
0x56: {  	[tilespmem:$0x6550] =	vst v0  }
0x57: {  	[tilespmem:$0x6560] =	vst v0  }
0x58: {  	[tilespmem:$0x6570] =	vst v0  }
0x59: {  	[tilespmem:$0x6580] =	vst v0  }
0x5a: {  	[tilespmem:$0x6590] =	vst v0  }
0x5b: {  	[tilespmem:$0x65A0] =	vst v0  }
0x5c: {  	[tilespmem:$0x65B0] =	vst v0  }
0x5d: {  	[tilespmem:$0x65C0] =	vst v0  }
0x5e: {  	[tilespmem:$0x65D0] =	vst v0  }
0x5f: {  	[tilespmem:$0x65E0] =	vst v0  }
0x60: {  	[tilespmem:$0x65F0] =	vst v0  }
0x61: {  	_ =	swait.ge [sflag:s20], $0xC40  }
0x62: {  	[sflag:s20] =	ssyncset.done $0x0  }
0x63: {  	[sflag:s20] =	ssyncadd.s32 $0xFFFFF3C0  }
0x64: {  	_ =	swait.ge [sflag:s20], $0xC40  }
0x65: {  	[sflag:s20] =	ssyncset.done $0x0  }
0x66: {  	[sflag:s20] =	ssyncadd.s32 $0xFFFFF3C0  }
0x67: {  	_ =	swait.ge [sflag:s20], $0xC40  }
0x68: {  	[sflag:s20] =	ssyncset.done $0x0  }
0x69: {  	[sflag:s20] =	ssyncadd.s32 $0xFFFFF3C0  }
0x6a: {  	_ =	swait.ge [sflag:s20], $0xC40  }
0x6b: {  	[sflag:s20] =	ssyncset.done $0x0  }
0x6c: {  	s25 =	simm.s32 $0x0;
	[sflag:s20] =	ssyncadd.s32 $0xFFFFF3C0  }
0x6d: {  	v2 =	vld [tilespmem:s25+$0x60]  }
0x6e: {  	v3 =	vld [tilespmem:s25+$0x0]  }
0x6f: {  	v5 =	vld [tilespmem:s25+$0x70]  }
0x70: {  	v4 =	vld [tilespmem:s25+$0x1880]  }
0x71: {  	v6 =	vld [tilespmem:s25+$0x40]  }
0x72: {  	v7 =	vld [tilespmem:s25+$0x30]  }
0x73: {  	v8 =	vld [tilespmem:s25+$0x10]  }
0x74: {  	v9 =	vld [tilespmem:s25+$0x20]  }
0x75: {  	v10 =	vld [tilespmem:s25+$0x50]  }
0x76: {  	[tilespmem:v3+s21+$0x0] =	vst.idx.add.f32.msk $0xffff, v4  }
0x77: {  	v4 =	vld [tilespmem:s25+$0x1890];
	_ =	sdelay $0x4  }
0x78: {  	[tilespmem:v8+s21+$0x0] =	vst.idx.add.f32.msk $0xffff, v4  }
0x79: {  	v4 =	vld [tilespmem:s25+$0x18A0];
	_ =	sdelay $0x4  }
0x7a: {  	[tilespmem:v9+s21+$0x0] =	vst.idx.add.f32.msk $0xffff, v4  }
0x7b: {  	v4 =	vld [tilespmem:s25+$0x18B0];
	_ =	sdelay $0x4  }
0x7c: {  	[tilespmem:v7+s21+$0x0] =	vst.idx.add.f32.msk $0xffff, v4  }
0x7d: {  	v4 =	vld [tilespmem:s25+$0x18C0];
	_ =	sdelay $0x4  }
0x7e: {  	[tilespmem:v6+s21+$0x0] =	vst.idx.add.f32.msk $0xffff, v4  }
0x7f: {  	v4 =	vld [tilespmem:s25+$0x18D0];
	_ =	sdelay $0x4  }
0x80: {  	[tilespmem:v10+s21+$0x0] =	vst.idx.add.f32.msk $0xffff, v4  }
0x81: {  	v4 =	vld [tilespmem:s25+$0x18E0];
	_ =	sdelay $0x4  }
0x82: {  	[tilespmem:v2+s21+$0x0] =	vst.idx.add.f32.msk $0xffff, v4  }
0x83: {  	v4 =	vld [tilespmem:s25+$0x18F0];
	_ =	sdelay $0x4  }
0x84: {  	[tilespmem:v5+s21+$0x0] =	vst.idx.add.f32.msk $0xffff, v4  }
0x85: {  	v4 =	vadd.s32 $0x100, v3;
	v11 =	vld [tilespmem:s25+$0x3100];
	_ =	sdelay $0x4  }
0x86: {  	[tilespmem:v4+s21+$0x0] =	vst.idx.add.f32.msk $0xffff, v11  }
0x87: {  	v4 =	vadd.s32 $0x100, v8;
	v11 =	vld [tilespmem:s25+$0x3110];
	_ =	sdelay $0x4  }
0x88: {  	[tilespmem:v4+s21+$0x0] =	vst.idx.add.f32.msk $0xffff, v11  }
0x89: {  	v4 =	vadd.s32 $0x100, v9;
	v11 =	vld [tilespmem:s25+$0x3120];
	_ =	sdelay $0x4  }
0x8a: {  	[tilespmem:v4+s21+$0x0] =	vst.idx.add.f32.msk $0xffff, v11  }
0x8b: {  	v4 =	vadd.s32 $0x100, v7;
	v11 =	vld [tilespmem:s25+$0x3130];
	_ =	sdelay $0x4  }
0x8c: {  	[tilespmem:v4+s21+$0x0] =	vst.idx.add.f32.msk $0xffff, v11  }
0x8d: {  	v4 =	vadd.s32 $0x100, v6;
	v11 =	vld [tilespmem:s25+$0x3140];
	_ =	sdelay $0x4  }
0x8e: {  	[tilespmem:v4+s21+$0x0] =	vst.idx.add.f32.msk $0xffff, v11  }
0x8f: {  	v4 =	vadd.s32 $0x100, v10;
	v11 =	vld [tilespmem:s25+$0x3150];
	_ =	sdelay $0x4  }
0x90: {  	[tilespmem:v4+s21+$0x0] =	vst.idx.add.f32.msk $0xffff, v11  }
0x91: {  	v4 =	vadd.s32 $0x100, v2;
	v11 =	vld [tilespmem:s25+$0x3160];
	_ =	sdelay $0x4  }
0x92: {  	[tilespmem:v4+s21+$0x0] =	vst.idx.add.f32.msk $0xffff, v11  }
0x93: {  	v4 =	vadd.s32 $0x100, v5;
	v11 =	vld [tilespmem:s25+$0x3170];
	_ =	sdelay $0x4  }
0x94: {  	[tilespmem:v4+s21+$0x0] =	vst.idx.add.f32.msk $0xffff, v11  }
0x95: {  	v4 =	vadd.s32 $0x200, v3;
	v11 =	vld [tilespmem:s25+$0x4980];
	_ =	sdelay $0x4  }
0x96: {  	[tilespmem:v4+s21+$0x0] =	vst.idx.add.f32.msk $0xffff, v11  }
0x97: {  	v4 =	vadd.s32 $0x200, v8;
	v11 =	vld [tilespmem:s25+$0x4990];
	_ =	sdelay $0x4  }
0x98: {  	[tilespmem:v4+s21+$0x0] =	vst.idx.add.f32.msk $0xffff, v11  }
0x99: {  	v4 =	vadd.s32 $0x200, v9;
	v11 =	vld [tilespmem:s25+$0x49A0];
	_ =	sdelay $0x4  }
0x9a: {  	[tilespmem:v4+s21+$0x0] =	vst.idx.add.f32.msk $0xffff, v11  }
0x9b: {  	v4 =	vadd.s32 $0x200, v7;
	v11 =	vld [tilespmem:s25+$0x49B0];
	_ =	sdelay $0x4  }
0x9c: {  	[tilespmem:v4+s21+$0x0] =	vst.idx.add.f32.msk $0xffff, v11  }
0x9d: {  	v4 =	vadd.s32 $0x200, v6;
	v11 =	vld [tilespmem:s25+$0x49C0];
	_ =	sdelay $0x4  }
0x9e: {  	[tilespmem:v4+s21+$0x0] =	vst.idx.add.f32.msk $0xffff, v11  }
0x9f: {  	v4 =	vadd.s32 $0x200, v10;
	v11 =	vld [tilespmem:s25+$0x49D0];
	_ =	sdelay $0x4  }
0xa0: {  	[tilespmem:v4+s21+$0x0] =	vst.idx.add.f32.msk $0xffff, v11  }
0xa1: {  	v4 =	vadd.s32 $0x200, v2;
	v11 =	vld [tilespmem:s25+$0x49E0];
	_ =	sdelay $0x4  }
0xa2: {  	[tilespmem:v4+s21+$0x0] =	vst.idx.add.f32.msk $0xffff, v11  }
0xa3: {  	v4 =	vadd.s32 $0x200, v5;
	v11 =	vld [tilespmem:s25+$0x49F0]  }
0xa4: {  	v3 =	vadd.s32 $0x300, v3  }
0xa5: {  	v8 =	vadd.s32 $0x300, v8  }
0xa6: {  	v9 =	vadd.s32 $0x300, v9  }
0xa7: {  	v7 =	vadd.s32 $0x300, v7  }
0xa8: {  	v6 =	vadd.s32 $0x300, v6;
	[tilespmem:v4+s21+$0x0] =	vst.idx.add.f32.msk $0xffff, v11  }
0xa9: {  	v10 =	vadd.s32 $0x300, v10;
	[tilespmem:v3+s21+$0x0] =	vst.idx.add.f32.msk $0xffff, v1  }
0xaa: {  	v4 =	vadd.s32 $0x300, v2;
	[tilespmem:v8+s21+$0x0] =	vst.idx.add.f32.msk $0xffff, v1  }
0xab: {  	v2 =	vadd.s32 $0x300, v5;
	[tilespmem:v9+s21+$0x0] =	vst.idx.add.f32.msk $0xffff, v1  }
0xac: {  	[tilespmem:v7+s21+$0x0] =	vst.idx.add.f32.msk $0xffff, v1  }
0xad: {  	[tilespmem:v6+s21+$0x0] =	vst.idx.add.f32.msk $0xffff, v1  }
0xae: {  	s25 =	simm.s32 $0x200;
	[tilespmem:v10+s21+$0x0] =	vst.idx.add.f32.msk $0xffff, v1  }
.LBB2_2:
0xaf: {  	p0 =	sne.s32 s25, $0x2E00;
	[tilespmem:v4+s21+$0x0] =	vst.idx.add.f32.msk $0xffff, v1;
	s26 =	smov.u32 s25;
	s25 =	sadd.s32 $0x200, s25  }
0xb0: {  	s26 =	sshra.s32 s26, $0x2;
	[tilespmem:v2+s21+$0x0] =	vst.idx.add.f32.msk $0xffff, v1  }
0xb1: {  	v2 =	vld [tilespmem:s26+$0x60]  }
0xb2: {  	v5 =	vld [tilespmem:s26+$0x0]  }
0xb3: {  	v3 =	vld [tilespmem:s26+$0x70]  }
0xb4: {  	v10 =	vld [tilespmem:s26+$0x1880]  }
0xb5: {  	v4 =	vld [tilespmem:s26+$0x40]  }
0xb6: {  	v6 =	vld [tilespmem:s26+$0x30]  }
0xb7: {  	v8 =	vld [tilespmem:s26+$0x10]  }
0xb8: {  	v9 =	vld [tilespmem:s26+$0x20]  }
0xb9: {  	v7 =	vld [tilespmem:s26+$0x50]  }
0xba: {  	[tilespmem:v5+s21+$0x0] =	vst.idx.add.f32.msk $0xffff, v10  }
0xbb: {  	v10 =	vld [tilespmem:s26+$0x1890];
	_ =	sdelay $0x4  }
0xbc: {  	[tilespmem:v8+s21+$0x0] =	vst.idx.add.f32.msk $0xffff, v10  }
0xbd: {  	v10 =	vld [tilespmem:s26+$0x18A0];
	_ =	sdelay $0x4  }
0xbe: {  	[tilespmem:v9+s21+$0x0] =	vst.idx.add.f32.msk $0xffff, v10  }
0xbf: {  	v10 =	vld [tilespmem:s26+$0x18B0];
	_ =	sdelay $0x4  }
0xc0: {  	[tilespmem:v6+s21+$0x0] =	vst.idx.add.f32.msk $0xffff, v10  }
0xc1: {  	v10 =	vld [tilespmem:s26+$0x18C0];
	_ =	sdelay $0x4  }
0xc2: {  	[tilespmem:v4+s21+$0x0] =	vst.idx.add.f32.msk $0xffff, v10  }
0xc3: {  	v10 =	vld [tilespmem:s26+$0x18D0];
	_ =	sdelay $0x4  }
0xc4: {  	[tilespmem:v7+s21+$0x0] =	vst.idx.add.f32.msk $0xffff, v10  }
0xc5: {  	v10 =	vld [tilespmem:s26+$0x18E0];
	_ =	sdelay $0x4  }
0xc6: {  	[tilespmem:v2+s21+$0x0] =	vst.idx.add.f32.msk $0xffff, v10  }
0xc7: {  	v10 =	vld [tilespmem:s26+$0x18F0];
	_ =	sdelay $0x4  }
0xc8: {  	[tilespmem:v3+s21+$0x0] =	vst.idx.add.f32.msk $0xffff, v10;
	v10 =	vadd.s32 $0x100, v5  }
0xc9: {  	v11 =	vld [tilespmem:s26+$0x3100];
	_ =	sdelay $0x4  }
0xca: {  	[tilespmem:v10+s21+$0x0] =	vst.idx.add.f32.msk $0xffff, v11;
	v10 =	vadd.s32 $0x100, v8  }
0xcb: {  	v11 =	vld [tilespmem:s26+$0x3110];
	_ =	sdelay $0x4  }
0xcc: {  	[tilespmem:v10+s21+$0x0] =	vst.idx.add.f32.msk $0xffff, v11;
	v10 =	vadd.s32 $0x100, v9  }
0xcd: {  	v11 =	vld [tilespmem:s26+$0x3120];
	_ =	sdelay $0x4  }
0xce: {  	[tilespmem:v10+s21+$0x0] =	vst.idx.add.f32.msk $0xffff, v11;
	v10 =	vadd.s32 $0x100, v6  }
0xcf: {  	v11 =	vld [tilespmem:s26+$0x3130];
	_ =	sdelay $0x4  }
0xd0: {  	[tilespmem:v10+s21+$0x0] =	vst.idx.add.f32.msk $0xffff, v11;
	v10 =	vadd.s32 $0x100, v4  }
0xd1: {  	v11 =	vld [tilespmem:s26+$0x3140];
	_ =	sdelay $0x4  }
0xd2: {  	[tilespmem:v10+s21+$0x0] =	vst.idx.add.f32.msk $0xffff, v11;
	v10 =	vadd.s32 $0x100, v7  }
0xd3: {  	v11 =	vld [tilespmem:s26+$0x3150];
	_ =	sdelay $0x4  }
0xd4: {  	[tilespmem:v10+s21+$0x0] =	vst.idx.add.f32.msk $0xffff, v11;
	v10 =	vadd.s32 $0x100, v2  }
0xd5: {  	v11 =	vld [tilespmem:s26+$0x3160];
	_ =	sdelay $0x4  }
0xd6: {  	[tilespmem:v10+s21+$0x0] =	vst.idx.add.f32.msk $0xffff, v11;
	v10 =	vadd.s32 $0x100, v3  }
0xd7: {  	v11 =	vld [tilespmem:s26+$0x3170];
	_ =	sdelay $0x4  }
0xd8: {  	[tilespmem:v10+s21+$0x0] =	vst.idx.add.f32.msk $0xffff, v11;
	v10 =	vadd.s32 $0x200, v5  }
0xd9: {  	v11 =	vld [tilespmem:s26+$0x4980];
	_ =	sdelay $0x4  }
0xda: {  	[tilespmem:v10+s21+$0x0] =	vst.idx.add.f32.msk $0xffff, v11;
	v10 =	vadd.s32 $0x200, v8  }
0xdb: {  	v11 =	vld [tilespmem:s26+$0x4990];
	_ =	sdelay $0x4  }
0xdc: {  	[tilespmem:v10+s21+$0x0] =	vst.idx.add.f32.msk $0xffff, v11;
	v10 =	vadd.s32 $0x200, v9  }
0xdd: {  	v11 =	vld [tilespmem:s26+$0x49A0];
	_ =	sdelay $0x4  }
0xde: {  	[tilespmem:v10+s21+$0x0] =	vst.idx.add.f32.msk $0xffff, v11;
	v10 =	vadd.s32 $0x200, v6  }
0xdf: {  	v11 =	vld [tilespmem:s26+$0x49B0];
	_ =	sdelay $0x4  }
0xe0: {  	[tilespmem:v10+s21+$0x0] =	vst.idx.add.f32.msk $0xffff, v11;
	v10 =	vadd.s32 $0x200, v4  }
0xe1: {  	v11 =	vld [tilespmem:s26+$0x49C0];
	_ =	sdelay $0x4  }
0xe2: {  	[tilespmem:v10+s21+$0x0] =	vst.idx.add.f32.msk $0xffff, v11;
	v10 =	vadd.s32 $0x200, v7  }
0xe3: {  	v11 =	vld [tilespmem:s26+$0x49D0];
	_ =	sdelay $0x4  }
0xe4: {  	[tilespmem:v10+s21+$0x0] =	vst.idx.add.f32.msk $0xffff, v11;
	v10 =	vadd.s32 $0x200, v2  }
0xe5: {  	v11 =	vld [tilespmem:s26+$0x49E0];
	_ =	sdelay $0x4  }
0xe6: {  	[tilespmem:v10+s21+$0x0] =	vst.idx.add.f32.msk $0xffff, v11;
	v10 =	vadd.s32 $0x200, v3  }
0xe7: {  	v5 =	vadd.s32 $0x300, v5;
	v11 =	vld [tilespmem:s26+$0x49F0]  }
0xe8: {  	v8 =	vadd.s32 $0x300, v8  }
0xe9: {  	v9 =	vadd.s32 $0x300, v9  }
0xea: {  	v6 =	vadd.s32 $0x300, v6  }
0xeb: {  	v12 =	vadd.s32 $0x300, v4  }
0xec: {  	v7 =	vadd.s32 $0x300, v7;
	[tilespmem:v10+s21+$0x0] =	vst.idx.add.f32.msk $0xffff, v11  }
0xed: {  	v4 =	vadd.s32 $0x300, v2;
	[tilespmem:v5+s21+$0x0] =	vst.idx.add.f32.msk $0xffff, v1  }
.Ltmp0:
0xee: {  	v2 =	vadd.s32 $0x300, v3;
	[tilespmem:v8+s21+$0x0] =	vst.idx.add.f32.msk $0xffff, v1;
	(pc) =	sbr.rel @p0 .LBB2_2-.Ltmp0, $4  }
0xef: {  	[tilespmem:v9+s21+$0x0] =	vst.idx.add.f32.msk $0xffff, v1  }
0xf0: {  	[tilespmem:v6+s21+$0x0] =	vst.idx.add.f32.msk $0xffff, v1  }
0xf1: {  	[tilespmem:v12+s21+$0x0] =	vst.idx.add.f32.msk $0xffff, v1  }
0xf2: {  	[tilespmem:v7+s21+$0x0] =	vst.idx.add.f32.msk $0xffff, v1  }
0xf3: {  	_ =	sdelay $0x3  }
0xf4: {  	[tilespmem:v4+s21+$0x0] =	vst.idx.add.f32.msk $0xffff, v1  }
0xf5: {  	[tilespmem:v2+s21+$0x0] =	vst.idx.add.f32.msk $0xffff, v1  }
0xf6: {  	_ =	swait.ge [sflag:s22], $0xC40  }
0xf7: {  	[sflag:s22] =	ssyncset.done $0x0  }
0xf8: {  	[sflag:s22] =	ssyncadd.s32 $0xFFFFF3C0  }
0xf9: {  	_ =	swait.ge [sflag:s22], $0xC40  }
0xfa: {  	[sflag:s22] =	ssyncset.done $0x0  }
0xfb: {  	[sflag:s22] =	ssyncadd.s32 $0xFFFFF3C0  }
0xfc: {  	_ =	swait.ge [sflag:s22], $0xC40  }
0xfd: {  	[sflag:s22] =	ssyncset.done $0x0  }
0xfe: {  	[sflag:s22] =	ssyncadd.s32 $0xFFFFF3C0  }
0xff: {  	_ =	swait.ge [sflag:s22], $0xC40  }
0x100: {  	[sflag:s22] =	ssyncset.done $0x0  }
0x101: {  	s25 =	simm.s32 $0x0;
	[sflag:s22] =	ssyncadd.s32 $0xFFFFF3C0  }
0x102: {  	v2 =	vld [tilespmem:s25+$0xC60]  }
0x103: {  	v3 =	vld [tilespmem:s25+$0xC00]  }
0x104: {  	v5 =	vld [tilespmem:s25+$0xC70]  }
0x105: {  	v4 =	vld [tilespmem:s25+$0x2480]  }
0x106: {  	v6 =	vld [tilespmem:s25+$0xC40]  }
0x107: {  	v7 =	vld [tilespmem:s25+$0xC30]  }
0x108: {  	v8 =	vld [tilespmem:s25+$0xC10]  }
0x109: {  	v9 =	vld [tilespmem:s25+$0xC20]  }
0x10a: {  	v10 =	vld [tilespmem:s25+$0xC50]  }
0x10b: {  	[tilespmem:v3+s21+$0x0] =	vst.idx.add.f32.msk $0xffff, v4  }
0x10c: {  	v4 =	vld [tilespmem:s25+$0x2490];
	_ =	sdelay $0x4  }
0x10d: {  	[tilespmem:v8+s21+$0x0] =	vst.idx.add.f32.msk $0xffff, v4  }
0x10e: {  	v4 =	vld [tilespmem:s25+$0x24A0];
	_ =	sdelay $0x4  }
0x10f: {  	[tilespmem:v9+s21+$0x0] =	vst.idx.add.f32.msk $0xffff, v4  }
0x110: {  	v4 =	vld [tilespmem:s25+$0x24B0];
	_ =	sdelay $0x4  }
0x111: {  	[tilespmem:v7+s21+$0x0] =	vst.idx.add.f32.msk $0xffff, v4  }
0x112: {  	v4 =	vld [tilespmem:s25+$0x24C0];
	_ =	sdelay $0x4  }
0x113: {  	[tilespmem:v6+s21+$0x0] =	vst.idx.add.f32.msk $0xffff, v4  }
0x114: {  	v4 =	vld [tilespmem:s25+$0x24D0];
	_ =	sdelay $0x4  }
0x115: {  	[tilespmem:v10+s21+$0x0] =	vst.idx.add.f32.msk $0xffff, v4  }
0x116: {  	v4 =	vld [tilespmem:s25+$0x24E0];
	_ =	sdelay $0x4  }
0x117: {  	[tilespmem:v2+s21+$0x0] =	vst.idx.add.f32.msk $0xffff, v4  }
0x118: {  	v4 =	vld [tilespmem:s25+$0x24F0];
	_ =	sdelay $0x4  }
0x119: {  	[tilespmem:v5+s21+$0x0] =	vst.idx.add.f32.msk $0xffff, v4  }
0x11a: {  	v4 =	vadd.s32 $0x100, v3;
	v11 =	vld [tilespmem:s25+$0x3D00];
	_ =	sdelay $0x4  }
0x11b: {  	[tilespmem:v4+s21+$0x0] =	vst.idx.add.f32.msk $0xffff, v11  }
0x11c: {  	v4 =	vadd.s32 $0x100, v8;
	v11 =	vld [tilespmem:s25+$0x3D10];
	_ =	sdelay $0x4  }
0x11d: {  	[tilespmem:v4+s21+$0x0] =	vst.idx.add.f32.msk $0xffff, v11  }
0x11e: {  	v4 =	vadd.s32 $0x100, v9;
	v11 =	vld [tilespmem:s25+$0x3D20];
	_ =	sdelay $0x4  }
0x11f: {  	[tilespmem:v4+s21+$0x0] =	vst.idx.add.f32.msk $0xffff, v11  }
0x120: {  	v4 =	vadd.s32 $0x100, v7;
	v11 =	vld [tilespmem:s25+$0x3D30];
	_ =	sdelay $0x4  }
0x121: {  	[tilespmem:v4+s21+$0x0] =	vst.idx.add.f32.msk $0xffff, v11  }
0x122: {  	v4 =	vadd.s32 $0x100, v6;
	v11 =	vld [tilespmem:s25+$0x3D40];
	_ =	sdelay $0x4  }
0x123: {  	[tilespmem:v4+s21+$0x0] =	vst.idx.add.f32.msk $0xffff, v11  }
0x124: {  	v4 =	vadd.s32 $0x100, v10;
	v11 =	vld [tilespmem:s25+$0x3D50];
	_ =	sdelay $0x4  }
0x125: {  	[tilespmem:v4+s21+$0x0] =	vst.idx.add.f32.msk $0xffff, v11  }
0x126: {  	v4 =	vadd.s32 $0x100, v2;
	v11 =	vld [tilespmem:s25+$0x3D60];
	_ =	sdelay $0x4  }
0x127: {  	[tilespmem:v4+s21+$0x0] =	vst.idx.add.f32.msk $0xffff, v11  }
0x128: {  	v4 =	vadd.s32 $0x100, v5;
	v11 =	vld [tilespmem:s25+$0x3D70];
	_ =	sdelay $0x4  }
0x129: {  	[tilespmem:v4+s21+$0x0] =	vst.idx.add.f32.msk $0xffff, v11  }
0x12a: {  	v4 =	vadd.s32 $0x200, v3;
	v11 =	vld [tilespmem:s25+$0x5580];
	_ =	sdelay $0x4  }
0x12b: {  	[tilespmem:v4+s21+$0x0] =	vst.idx.add.f32.msk $0xffff, v11  }
0x12c: {  	v4 =	vadd.s32 $0x200, v8;
	v11 =	vld [tilespmem:s25+$0x5590];
	_ =	sdelay $0x4  }
0x12d: {  	[tilespmem:v4+s21+$0x0] =	vst.idx.add.f32.msk $0xffff, v11  }
0x12e: {  	v4 =	vadd.s32 $0x200, v9;
	v11 =	vld [tilespmem:s25+$0x55A0];
	_ =	sdelay $0x4  }
0x12f: {  	[tilespmem:v4+s21+$0x0] =	vst.idx.add.f32.msk $0xffff, v11  }
0x130: {  	v4 =	vadd.s32 $0x200, v7;
	v11 =	vld [tilespmem:s25+$0x55B0];
	_ =	sdelay $0x4  }
0x131: {  	[tilespmem:v4+s21+$0x0] =	vst.idx.add.f32.msk $0xffff, v11  }
0x132: {  	v4 =	vadd.s32 $0x200, v6;
	v11 =	vld [tilespmem:s25+$0x55C0];
	_ =	sdelay $0x4  }
0x133: {  	[tilespmem:v4+s21+$0x0] =	vst.idx.add.f32.msk $0xffff, v11  }
0x134: {  	v4 =	vadd.s32 $0x200, v10;
	v11 =	vld [tilespmem:s25+$0x55D0];
	_ =	sdelay $0x4  }
0x135: {  	[tilespmem:v4+s21+$0x0] =	vst.idx.add.f32.msk $0xffff, v11  }
0x136: {  	v4 =	vadd.s32 $0x200, v2;
	v11 =	vld [tilespmem:s25+$0x55E0];
	_ =	sdelay $0x4  }
0x137: {  	[tilespmem:v4+s21+$0x0] =	vst.idx.add.f32.msk $0xffff, v11  }
0x138: {  	v4 =	vadd.s32 $0x200, v5;
	v11 =	vld [tilespmem:s25+$0x55F0]  }
0x139: {  	v3 =	vadd.s32 $0x300, v3  }
0x13a: {  	v8 =	vadd.s32 $0x300, v8  }
0x13b: {  	v9 =	vadd.s32 $0x300, v9  }
0x13c: {  	v7 =	vadd.s32 $0x300, v7  }
0x13d: {  	v6 =	vadd.s32 $0x300, v6;
	[tilespmem:v4+s21+$0x0] =	vst.idx.add.f32.msk $0xffff, v11  }
0x13e: {  	v10 =	vadd.s32 $0x300, v10;
	[tilespmem:v3+s21+$0x0] =	vst.idx.add.f32.msk $0xffff, v1  }
0x13f: {  	v4 =	vadd.s32 $0x300, v2;
	[tilespmem:v8+s21+$0x0] =	vst.idx.add.f32.msk $0xffff, v1  }
0x140: {  	v2 =	vadd.s32 $0x300, v5;
	[tilespmem:v9+s21+$0x0] =	vst.idx.add.f32.msk $0xffff, v1  }
0x141: {  	[tilespmem:v7+s21+$0x0] =	vst.idx.add.f32.msk $0xffff, v1  }
0x142: {  	[tilespmem:v6+s21+$0x0] =	vst.idx.add.f32.msk $0xffff, v1  }
0x143: {  	s25 =	simm.s32 $0x200;
	[tilespmem:v10+s21+$0x0] =	vst.idx.add.f32.msk $0xffff, v1  }
.LBB2_4:
0x144: {  	p0 =	sne.s32 s25, $0x3000;
	[tilespmem:v4+s21+$0x0] =	vst.idx.add.f32.msk $0xffff, v1;
	s26 =	smov.u32 s25;
	s25 =	sadd.s32 $0x200, s25  }
0x145: {  	s26 =	sshra.s32 s26, $0x2;
	[tilespmem:v2+s21+$0x0] =	vst.idx.add.f32.msk $0xffff, v1  }
0x146: {  	v2 =	vld [tilespmem:s26+$0xC60]  }
0x147: {  	v5 =	vld [tilespmem:s26+$0xC00]  }
0x148: {  	v3 =	vld [tilespmem:s26+$0xC70]  }
0x149: {  	v10 =	vld [tilespmem:s26+$0x2480]  }
0x14a: {  	v4 =	vld [tilespmem:s26+$0xC40]  }
0x14b: {  	v6 =	vld [tilespmem:s26+$0xC30]  }
0x14c: {  	v8 =	vld [tilespmem:s26+$0xC10]  }
0x14d: {  	v9 =	vld [tilespmem:s26+$0xC20]  }
0x14e: {  	v7 =	vld [tilespmem:s26+$0xC50]  }
0x14f: {  	[tilespmem:v5+s21+$0x0] =	vst.idx.add.f32.msk $0xffff, v10  }
0x150: {  	v10 =	vld [tilespmem:s26+$0x2490];
	_ =	sdelay $0x4  }
0x151: {  	[tilespmem:v8+s21+$0x0] =	vst.idx.add.f32.msk $0xffff, v10  }
0x152: {  	v10 =	vld [tilespmem:s26+$0x24A0];
	_ =	sdelay $0x4  }
0x153: {  	[tilespmem:v9+s21+$0x0] =	vst.idx.add.f32.msk $0xffff, v10  }
0x154: {  	v10 =	vld [tilespmem:s26+$0x24B0];
	_ =	sdelay $0x4  }
0x155: {  	[tilespmem:v6+s21+$0x0] =	vst.idx.add.f32.msk $0xffff, v10  }
0x156: {  	v10 =	vld [tilespmem:s26+$0x24C0];
	_ =	sdelay $0x4  }
0x157: {  	[tilespmem:v4+s21+$0x0] =	vst.idx.add.f32.msk $0xffff, v10  }
0x158: {  	v10 =	vld [tilespmem:s26+$0x24D0];
	_ =	sdelay $0x4  }
0x159: {  	[tilespmem:v7+s21+$0x0] =	vst.idx.add.f32.msk $0xffff, v10  }
0x15a: {  	v10 =	vld [tilespmem:s26+$0x24E0];
	_ =	sdelay $0x4  }
0x15b: {  	[tilespmem:v2+s21+$0x0] =	vst.idx.add.f32.msk $0xffff, v10  }
0x15c: {  	v10 =	vld [tilespmem:s26+$0x24F0];
	_ =	sdelay $0x4  }
0x15d: {  	[tilespmem:v3+s21+$0x0] =	vst.idx.add.f32.msk $0xffff, v10;
	v10 =	vadd.s32 $0x100, v5  }
0x15e: {  	v11 =	vld [tilespmem:s26+$0x3D00];
	_ =	sdelay $0x4  }
0x15f: {  	[tilespmem:v10+s21+$0x0] =	vst.idx.add.f32.msk $0xffff, v11;
	v10 =	vadd.s32 $0x100, v8  }
0x160: {  	v11 =	vld [tilespmem:s26+$0x3D10];
	_ =	sdelay $0x4  }
0x161: {  	[tilespmem:v10+s21+$0x0] =	vst.idx.add.f32.msk $0xffff, v11;
	v10 =	vadd.s32 $0x100, v9  }
0x162: {  	v11 =	vld [tilespmem:s26+$0x3D20];
	_ =	sdelay $0x4  }
0x163: {  	[tilespmem:v10+s21+$0x0] =	vst.idx.add.f32.msk $0xffff, v11;
	v10 =	vadd.s32 $0x100, v6  }
0x164: {  	v11 =	vld [tilespmem:s26+$0x3D30];
	_ =	sdelay $0x4  }
0x165: {  	[tilespmem:v10+s21+$0x0] =	vst.idx.add.f32.msk $0xffff, v11;
	v10 =	vadd.s32 $0x100, v4  }
0x166: {  	v11 =	vld [tilespmem:s26+$0x3D40];
	_ =	sdelay $0x4  }
0x167: {  	[tilespmem:v10+s21+$0x0] =	vst.idx.add.f32.msk $0xffff, v11;
	v10 =	vadd.s32 $0x100, v7  }
0x168: {  	v11 =	vld [tilespmem:s26+$0x3D50];
	_ =	sdelay $0x4  }
0x169: {  	[tilespmem:v10+s21+$0x0] =	vst.idx.add.f32.msk $0xffff, v11;
	v10 =	vadd.s32 $0x100, v2  }
0x16a: {  	v11 =	vld [tilespmem:s26+$0x3D60];
	_ =	sdelay $0x4  }
0x16b: {  	[tilespmem:v10+s21+$0x0] =	vst.idx.add.f32.msk $0xffff, v11;
	v10 =	vadd.s32 $0x100, v3  }
0x16c: {  	v11 =	vld [tilespmem:s26+$0x3D70];
	_ =	sdelay $0x4  }
0x16d: {  	[tilespmem:v10+s21+$0x0] =	vst.idx.add.f32.msk $0xffff, v11;
	v10 =	vadd.s32 $0x200, v5  }
0x16e: {  	v11 =	vld [tilespmem:s26+$0x5580];
	_ =	sdelay $0x4  }
0x16f: {  	[tilespmem:v10+s21+$0x0] =	vst.idx.add.f32.msk $0xffff, v11;
	v10 =	vadd.s32 $0x200, v8  }
0x170: {  	v11 =	vld [tilespmem:s26+$0x5590];
	_ =	sdelay $0x4  }
0x171: {  	[tilespmem:v10+s21+$0x0] =	vst.idx.add.f32.msk $0xffff, v11;
	v10 =	vadd.s32 $0x200, v9  }
0x172: {  	v11 =	vld [tilespmem:s26+$0x55A0];
	_ =	sdelay $0x4  }
0x173: {  	[tilespmem:v10+s21+$0x0] =	vst.idx.add.f32.msk $0xffff, v11;
	v10 =	vadd.s32 $0x200, v6  }
0x174: {  	v11 =	vld [tilespmem:s26+$0x55B0];
	_ =	sdelay $0x4  }
0x175: {  	[tilespmem:v10+s21+$0x0] =	vst.idx.add.f32.msk $0xffff, v11;
	v10 =	vadd.s32 $0x200, v4  }
0x176: {  	v11 =	vld [tilespmem:s26+$0x55C0];
	_ =	sdelay $0x4  }
0x177: {  	[tilespmem:v10+s21+$0x0] =	vst.idx.add.f32.msk $0xffff, v11;
	v10 =	vadd.s32 $0x200, v7  }
0x178: {  	v11 =	vld [tilespmem:s26+$0x55D0];
	_ =	sdelay $0x4  }
0x179: {  	[tilespmem:v10+s21+$0x0] =	vst.idx.add.f32.msk $0xffff, v11;
	v10 =	vadd.s32 $0x200, v2  }
0x17a: {  	v11 =	vld [tilespmem:s26+$0x55E0];
	_ =	sdelay $0x4  }
0x17b: {  	[tilespmem:v10+s21+$0x0] =	vst.idx.add.f32.msk $0xffff, v11;
	v10 =	vadd.s32 $0x200, v3  }
0x17c: {  	v5 =	vadd.s32 $0x300, v5;
	v11 =	vld [tilespmem:s26+$0x55F0]  }
0x17d: {  	v8 =	vadd.s32 $0x300, v8  }
0x17e: {  	v9 =	vadd.s32 $0x300, v9  }
0x17f: {  	v6 =	vadd.s32 $0x300, v6  }
0x180: {  	v12 =	vadd.s32 $0x300, v4  }
0x181: {  	v7 =	vadd.s32 $0x300, v7;
	[tilespmem:v10+s21+$0x0] =	vst.idx.add.f32.msk $0xffff, v11  }
0x182: {  	v4 =	vadd.s32 $0x300, v2;
	[tilespmem:v5+s21+$0x0] =	vst.idx.add.f32.msk $0xffff, v1  }
.Ltmp1:
0x183: {  	v2 =	vadd.s32 $0x300, v3;
	[tilespmem:v8+s21+$0x0] =	vst.idx.add.f32.msk $0xffff, v1;
	(pc) =	sbr.rel @p0 .LBB2_4-.Ltmp1, $4  }
0x184: {  	[tilespmem:v9+s21+$0x0] =	vst.idx.add.f32.msk $0xffff, v1  }
0x185: {  	[tilespmem:v6+s21+$0x0] =	vst.idx.add.f32.msk $0xffff, v1  }
0x186: {  	[tilespmem:v12+s21+$0x0] =	vst.idx.add.f32.msk $0xffff, v1  }
0x187: {  	[tilespmem:v7+s21+$0x0] =	vst.idx.add.f32.msk $0xffff, v1  }
0x188: {  	_ =	sdelay $0x2  }
0x189: {  	s24 =	sadd.s32 $0x1, s24  }
0x18a: {  	[tilespmem:v4+s21+$0x0] =	vst.idx.add.f32.msk $0xffff, v1;
	p0 =	sne.s32 s24, s12  }
.Ltmp2:
0x18b: {  	[tilespmem:v2+s21+$0x0] =	vst.idx.add.f32.msk $0xffff, v1;
	(pc) =	sbr.rel @p0 .LBB2_1-.Ltmp2, $4  }
0x18c: {  	[hbm4b:s11+s2] =	stream.linear.scatter [tilespmem:s21], [sflag:$0x3], $0x400, $0x38;
	[tilespmem:$0x6600] =	vst v63  }
0x18d: {  	_ =	swait.ge [sflag:s23], $0x400  }
0x18e: {  	[sflag:s23] =	ssyncset.done $0x0  }
0x18f: {  	[sflag:s23] =	ssyncadd.s32 $0xFFFFFC00  }
0x190: {  	_ =	sfence.sel $0x180000  }
0x191: {  	[bflag:$0x0] =	sbarrier.arrive $0xFFFF  }
0x192: {  	p0 =	sne.s32 s0, $0x0;
	_ =	strace $0x90000047  }
0x193: {  	s0 =	sadd.s32 @!p0 $0x100000, s1;
	[bflag:$0x2] =	sbarrier.arrive $0xFFFF  }
0x194: {  	[sflag:s0] =	ssyncadd.tile.s32 @!p0 $0x1;
	_ =	shalt  }
.Lfunc_end2:
_tile_overlayer_lowered:
.L_overlay_start_2:
0x195: {  	(tag) =	ssettag $0x2  }
0x196: {  	s0 =	rddreg [dreg:$0x0];
	s2 =	stileid.u32  }
0x197: {  	s1 =	rddreg [dreg:$0x1];
	p0 =	sne.s32 s2, $0x0  }
0x198: {  	s3 =	rddreg [dreg:$0x2];
	[bflag:$0x3] =	sbarrier.arrive $0xFFFF;
	s2 =	simm.s32 @!p0 $0x1C03  }
0x199: {  	[timem:s3], [sflag:s2] =	dma.local @!p0 [hbm:s0], s1  }
0x19a: {  	s0 =	simm.s32 @!p0 $0x3  }
0x19b: {  	_ =	swait.ge @!p0 [sflag:s0], s1  }
0x19c: {  	s1 =	ssub.s32 @!p0 $0x0, s1;
	[sflag:s0] =	ssyncset.done @!p0 $0x0  }
0x19d: {  	[sflag:s0] =	ssyncadd.s32 @!p0 s1  }
0x19e: {  	[bflag:$0x3] =	sbarrier.arrive $0xFFFF  }
0x19f: {  	_ =	shalt  }

</sc_bundles>
